<compile_context>
chip_gen: v7x
topology: tpu7x:2x2x1
jax: 0.10.2.dev20260603
libtpu: 0.0.44.dev20260713+nightly
codegen_flags: <defaults>
</compile_context>

<pallas_src>
import functools
import math

import jax
import jax.numpy as jnp
from jax import lax
from jax.experimental import pallas as pl
from jax.experimental.pallas import tpu as pltpu
from jax.experimental.pallas import tpu_sc as plsc

S = 2048
HID = 768
NH = 12
NKV = 4
DH = 64
HALF = DH // 2
GROUPS = NH // NKV
NEXP = 64
EI = 48
VOCAB = 100000
THETA = 10000.0
EPS = 1e-6
SCALE = 1.0 / math.sqrt(DH)
SHIFT = 8.0

SBLK = 256
VW = 128
NSB = S // SBLK
QBLK = 512
NQB = S // QBLK
KBLK = 512
NKB = S // KBLK
KPQ = QBLK // KBLK
QROWS = GROUPS * QBLK
BT = 64
NBLOCKS = NEXP + S // BT
NPAD = NBLOCKS * BT

NW = 32
ROWS_W = S // NW
LANES = 16


def _rms(x, w):
    return x * lax.rsqrt(jnp.mean(x * x, axis=-1, keepdims=True) + EPS) * w


def _qkv_body(hid_ref, wq_ref, wk_ref, wv_ref, ln1_ref, qnw_ref, knw_ref,
              cos_ref, sin_ref, q_ref, k_ref, v_ref):
    x = hid_ref[...]
    h = _rms(x, ln1_ref[...])
    q = jnp.dot(h, wq_ref[...], preferred_element_type=jnp.float32)
    k = jnp.dot(h, wk_ref[...], preferred_element_type=jnp.float32)
    v = jnp.dot(h, wv_ref[...], preferred_element_type=jnp.float32)
    cos = cos_ref[...]
    sin = sin_ref[...]

    def rope_norm(xc, w):
        ms = jnp.mean(xc * xc, axis=-1, keepdims=True)
        x1 = xc[:, :HALF]
        x2 = xc[:, HALF:]
        r = jnp.concatenate([x1 * cos - x2 * sin, x2 * cos + x1 * sin], axis=1)
        return (r * lax.rsqrt(ms + EPS) * w).astype(jnp.bfloat16)

    for h_ in range(NH):
        q_ref[h_] = rope_norm(q[:, h_ * DH:(h_ + 1) * DH], qnw_ref[...])
    ones = jnp.ones((SBLK, 1), jnp.bfloat16)
    zeros = jnp.zeros((SBLK, VW - DH - 1), jnp.bfloat16)
    for h_ in range(NKV):
        k_ref[h_] = rope_norm(k[:, h_ * DH:(h_ + 1) * DH], knw_ref[...])
        v_ref[h_] = jnp.concatenate(
            [v[:, h_ * DH:(h_ + 1) * DH].astype(jnp.bfloat16), ones, zeros],
            axis=1)


def _attn_body(q_ref, k_ref, v_ref, o_ref, acc_ref):
    i = pl.program_id(1)
    q = q_ref[...].reshape(QROWS, DH) * jnp.bfloat16(SCALE)
    acc_ref[...] = jnp.zeros((QROWS, VW), jnp.float32)

    def tile(j, masked):
        kj = k_ref[0, pl.ds(j * KBLK, KBLK), :]
        vj = v_ref[0, pl.ds(j * KBLK, KBLK), :]
        s = lax.dot_general(q, kj, (((1,), (1,)), ((), ())),
                            preferred_element_type=jnp.float32)
        if masked:
            off = j * KBLK - i * QBLK
            row = lax.broadcasted_iota(jnp.int32, (QROWS, KBLK), 0) & (QBLK - 1)
            col = lax.broadcasted_iota(jnp.int32, (QROWS, KBLK), 1) + off
            s = jnp.where(col <= row, s, jnp.float32(-1e30))
        p = jnp.exp(s)
        acc_ref[...] += lax.dot_general(
            p.astype(jnp.bfloat16), vj, (((1,), (0,)), ((), ())),
            preferred_element_type=jnp.float32)

    for j in range(NKB):
        @pl.when(j // KPQ < i)
        def _(j=j):
            tile(j, masked=False)

        @pl.when(j // KPQ == i)
        def _(j=j):
            tile(j, masked=True)

    acc = acc_ref[...]
    o_ref[...] = (acc[:, :DH] / acc[:, DH:DH + 1]
                  ).astype(jnp.bfloat16).reshape(GROUPS, QBLK, DH)


def _oproj_body(a_ref, wo_ref, r_ref, x_ref):
    a = jnp.concatenate([a_ref[h_] for h_ in range(NH)], axis=1)
    x_ref[...] = r_ref[...] + jnp.dot(a, wo_ref[...].astype(jnp.bfloat16),
                                      preferred_element_type=jnp.float32)


def _moe_body(meta_ref, x_ref, ln2_ref, g_ref, u_ref, d_ref, y_ref):
    b = pl.program_id(0)

    @pl.when(b < meta_ref[NBLOCKS])
    def _():
        x = x_ref[...]
        h = _rms(x, ln2_ref[...]).astype(jnp.bfloat16)
        g = lax.dot_general(h, g_ref[0].astype(jnp.bfloat16),
                            (((1,), (1,)), ((), ())),
                            preferred_element_type=jnp.float32)
        u = lax.dot_general(h, u_ref[0].astype(jnp.bfloat16),
                            (((1,), (1,)), ((), ())),
                            preferred_element_type=jnp.float32)
        a = g * (1.0 / (1.0 + jnp.exp(-g))) * u
        y_ref[...] = x + jnp.dot(a.astype(jnp.bfloat16),
                                 d_ref[0].astype(jnp.bfloat16),
                                 preferred_element_type=jnp.float32)


def _sc_mesh():
    return plsc.VectorSubcoreMesh(core_axis_name="c", subcore_axis_name="s")


HALF_W = ROWS_W // 2


def _sc_route(src, n_out, order, dest_sorted, gather_by_dest):
    @functools.partial(
        pl.kernel, mesh=_sc_mesh(),
        out_type=jax.ShapeDtypeStruct((n_out, HID), jnp.float32),
        scratch_types=[pltpu.VMEM((HALF_W,), jnp.int32),
                       pltpu.VMEM((HALF_W,), jnp.int32),
                       pltpu.VMEM((HALF_W,), jnp.int32),
                       pltpu.VMEM((HALF_W,), jnp.int32),
                       pltpu.VMEM((HALF_W, HID), jnp.float32),
                       pltpu.VMEM((HALF_W, HID), jnp.float32),
                       pltpu.SemaphoreType.DMA,
                       pltpu.SemaphoreType.DMA,
                       pltpu.SemaphoreType.DMA,
                       pltpu.SemaphoreType.DMA],
    )
    def k(src_hbm, ord_hbm, dst_hbm, out_hbm,
          g0_v, g1_v, s0_v, s1_v, rows0, rows1, mg0, mg1, ms0, ms1):
        wid = lax.axis_index("s") * 2 + lax.axis_index("c")
        base = wid * ROWS_W
        gsrc_hbm, ssrc_hbm = (dst_hbm, ord_hbm) if gather_by_dest \
            else (ord_hbm, dst_hbm)
        pltpu.sync_copy(gsrc_hbm.at[pl.ds(base, HALF_W)], g0_v)
        pltpu.sync_copy(gsrc_hbm.at[pl.ds(base + HALF_W, HALF_W)], g1_v)
        pltpu.sync_copy(ssrc_hbm.at[pl.ds(base, HALF_W)], s0_v)
        pltpu.sync_copy(ssrc_hbm.at[pl.ds(base + HALF_W, HALF_W)], s1_v)
        c0 = pltpu.async_copy(src_hbm.at[g0_v], rows0, mg0)
        c1 = pltpu.async_copy(src_hbm.at[g1_v], rows1, mg1)
        c0.wait()
        w0 = pltpu.async_copy(rows0, out_hbm.at[s0_v], ms0)
        c1.wait()
        w1 = pltpu.async_copy(rows1, out_hbm.at[s1_v], ms1)
        w0.wait()
        w1.wait()

    return k(src, order, dest_sorted)


def _sc_dispatch(x2d, order, dest_sorted):
    return _sc_route(x2d, NPAD, order, dest_sorted, gather_by_dest=False)


def _sc_combine(y_padded, order, dest_sorted):
    return _sc_route(y_padded, S, order, dest_sorted, gather_by_dest=True)


def kernel(hidden_states, token_ids, Wq, Wk, Wv, Wo, q_norm_w, k_norm_w,
           ln1_w, ln2_w, gate_proj, up_proj, down_proj):
    x0 = hidden_states.reshape(S, HID)

    tid = jnp.clip(token_ids.reshape(-1), 0, VOCAB - 1)
    eid = jnp.minimum(tid // (VOCAB // NEXP), NEXP - 1).astype(jnp.int32)
    iota = jnp.arange(S, dtype=jnp.int32)
    eid_sorted, order = lax.sort_key_val(eid, iota)
    erange = jnp.arange(NEXP, dtype=jnp.int32)
    gstart = jnp.sum(eid_sorted[None, :] < erange[:, None], axis=1,
                     dtype=jnp.int32)
    counts = jnp.concatenate([gstart[1:], jnp.full((1,), S, jnp.int32)]) - gstart
    blocks_per_e = (counts + BT - 1) // BT
    cumblocks = jnp.cumsum(blocks_per_e)
    pstart = ((cumblocks - blocks_per_e) * BT).astype(jnp.int32)
    padshift = pstart - gstart
    psx = jnp.concatenate([padshift[:1], jnp.diff(padshift)])
    ps_sorted = jnp.sum(
        jnp.where(gstart[None, :] <= iota[:, None], psx[None, :], 0),
        axis=1, dtype=jnp.int32)
    dest_sorted = iota + ps_sorted
    used = cumblocks[NEXP - 1].astype(jnp.int32)
    brange = jnp.arange(NBLOCKS, dtype=jnp.int32)
    be = jnp.minimum(
        jnp.sum(cumblocks[None, :] <= brange[:, None], axis=1,
                dtype=jnp.int32),
        NEXP - 1)
    be = jnp.where(jnp.arange(NBLOCKS) < used, be, jnp.take(be, used - 1))
    meta = jnp.concatenate([be, used.reshape(1)])

    tpos = jnp.arange(S, dtype=jnp.float32)
    inv_freq = jnp.exp(jnp.arange(HALF, dtype=jnp.float32)
                       * (-math.log(THETA) / HALF))
    freqs = tpos[:, None] * inv_freq[None, :]
    cos_t = jnp.cos(freqs)
    sin_t = jnp.sin(freqs)
    qn3, kn3, v3 = pl.pallas_call(
        _qkv_body,
        grid=(NSB,),
        in_specs=[
            pl.BlockSpec((SBLK, HID), lambda i: (i, 0)),
            pl.BlockSpec((HID, NH * DH), lambda i: (0, 0)),
            pl.BlockSpec((HID, NKV * DH), lambda i: (0, 0)),
            pl.BlockSpec((HID, NKV * DH), lambda i: (0, 0)),
            pl.BlockSpec((1, HID), lambda i: (0, 0)),
            pl.BlockSpec((1, DH), lambda i: (0, 0)),
            pl.BlockSpec((1, DH), lambda i: (0, 0)),
            pl.BlockSpec((SBLK, HALF), lambda i: (i, 0)),
            pl.BlockSpec((SBLK, HALF), lambda i: (i, 0)),
        ],
        out_specs=[
            pl.BlockSpec((NH, SBLK, DH), lambda i: (0, i, 0)),
            pl.BlockSpec((NKV, SBLK, DH), lambda i: (0, i, 0)),
            pl.BlockSpec((NKV, SBLK, VW), lambda i: (0, i, 0)),
        ],
        out_shape=[
            jax.ShapeDtypeStruct((NH, S, DH), jnp.bfloat16),
            jax.ShapeDtypeStruct((NKV, S, DH), jnp.bfloat16),
            jax.ShapeDtypeStruct((NKV, S, VW), jnp.bfloat16),
        ],
    )(x0, Wq, Wk, Wv, ln1_w.reshape(1, HID), q_norm_w.reshape(1, DH),
      k_norm_w.reshape(1, DH), cos_t, sin_t)

    attn3 = pl.pallas_call(
        _attn_body,
        grid=(NKV, NQB),
        in_specs=[
            pl.BlockSpec((GROUPS, QBLK, DH), lambda g, i: (g, i, 0)),
            pl.BlockSpec((1, S, DH), lambda g, i: (g, 0, 0)),
            pl.BlockSpec((1, S, VW), lambda g, i: (g, 0, 0)),
        ],
        out_specs=pl.BlockSpec((GROUPS, QBLK, DH), lambda g, i: (g, i, 0)),
        out_shape=jax.ShapeDtypeStruct((NH, S, DH), jnp.bfloat16),
        scratch_shapes=[pltpu.VMEM((QROWS, VW), jnp.float32)],
    )(qn3, kn3, v3)

    x2d = pl.pallas_call(
        _oproj_body,
        grid=(NSB,),
        in_specs=[
            pl.BlockSpec((NH, SBLK, DH), lambda i: (0, i, 0)),
            pl.BlockSpec((NH * DH, HID), lambda i: (0, 0)),
            pl.BlockSpec((SBLK, HID), lambda i: (i, 0)),
        ],
        out_specs=pl.BlockSpec((SBLK, HID), lambda i: (i, 0)),
        out_shape=jax.ShapeDtypeStruct((S, HID), jnp.float32),
    )(attn3, Wo, x0)

    x_padded = _sc_dispatch(x2d, order, dest_sorted)

    gate_t = jnp.transpose(gate_proj, (0, 2, 1))
    up_t = jnp.transpose(up_proj, (0, 2, 1))
    y_padded = pl.pallas_call(
        _moe_body,
        grid_spec=pltpu.PrefetchScalarGridSpec(
            num_scalar_prefetch=1,
            grid=(NBLOCKS,),
            in_specs=[
                pl.BlockSpec((BT, HID),
                             lambda b, m: (jnp.minimum(b, m[NBLOCKS] - 1), 0)),
                pl.BlockSpec((1, HID), lambda b, m: (0, 0)),
                pl.BlockSpec((1, EI, HID), lambda b, m: (m[b], 0, 0)),
                pl.BlockSpec((1, EI, HID), lambda b, m: (m[b], 0, 0)),
                pl.BlockSpec((1, EI, HID), lambda b, m: (m[b], 0, 0)),
            ],
            out_specs=pl.BlockSpec(
                (BT, HID), lambda b, m: (jnp.minimum(b, m[NBLOCKS] - 1), 0)),
        ),
        out_shape=jax.ShapeDtypeStruct((NPAD, HID), jnp.float32),
    )(meta, x_padded, ln2_w.reshape(1, HID), gate_t, up_t, down_proj)

    out2d = _sc_combine(y_padded, order, dest_sorted)
    return out2d.reshape(1, S, HID)

# --- scband reference (transcript-rebuilt; emitter-appended) ---
"""Pipeline reference for scband-optimized-transformer-layer-90383291777476 (READ-ONLY COPY).

The authoritative reference and input builder live on the scoring server;
editing this copy changes nothing except your own understanding.
"""

import jax, jax.numpy as jnp
import numpy as np

B, S = 1, 2048
HID = 768
NH = 12
NKV = 4
DH = HID // NH
GROUPS = NH // NKV
NEXP = 64
EI = 3072 // NEXP
VOCAB = 100000
THETA = 10000.0
EPS = 1e-6


def rmsnorm(x, w, eps=EPS):
    return x * jax.lax.rsqrt(jnp.mean(x * x, axis=-1, keepdims=True) + eps) * w


def rotate_half(x):
    x1, x2 = x[..., : x.shape[-1] // 2], x[..., x.shape[-1] // 2 :]
    return jnp.concatenate([-x2, x1], axis=-1)


def setup_inputs(seed: int = 0):
    key = jax.random.key(seed)
    ks = jax.random.split(key, 16)
    inp = {}
    inp['hidden_states'] = jax.random.normal(ks[0], (B, S, HID), jnp.float32)
    inp['token_ids'] = jax.random.randint(ks[1], (B, S), 0, VOCAB, dtype=jnp.int32)
    inp['Wq'] = 0.02 * jax.random.normal(ks[2], (HID, NH * DH), jnp.float32)
    inp['Wk'] = 0.02 * jax.random.normal(ks[3], (HID, NKV * DH), jnp.float32)
    inp['Wv'] = 0.02 * jax.random.normal(ks[4], (HID, NKV * DH), jnp.float32)
    inp['Wo'] = 0.02 * jax.random.normal(ks[5], (NH * DH, HID), jnp.float32)
    inp['q_norm_w'] = jnp.ones((DH,), jnp.float32)
    inp['k_norm_w'] = jnp.ones((DH,), jnp.float32)
    inp['ln1_w'] = jnp.ones((HID,), jnp.float32)
    inp['ln2_w'] = jnp.ones((HID,), jnp.float32)
    inp['gate_proj'] = 0.02 * jax.random.normal(ks[6], (NEXP, HID, EI), jnp.float32)
    inp['up_proj'] = 0.02 * jax.random.normal(ks[7], (NEXP, HID, EI), jnp.float32)
    inp['down_proj'] = 0.02 * jax.random.normal(ks[8], (NEXP, EI, HID), jnp.float32)
    return inp


def reference(hidden_states, token_ids, Wq, Wk, Wv, Wo, q_norm_w, k_norm_w, ln1_w, ln2_w, gate_proj, up_proj, down_proj):
    b, s, _ = hidden_states.shape
    # --- attention block with pre-RMSNorm ---
    resid = hidden_states
    h = rmsnorm(hidden_states, ln1_w)
    q = (h @ Wq).reshape(b, s, NH, DH).transpose(0, 2, 1, 3)
    k = (h @ Wk).reshape(b, s, NKV, DH).transpose(0, 2, 1, 3)
    v = (h @ Wv).reshape(b, s, NKV, DH).transpose(0, 2, 1, 3)
    # rotary embeddings
    inv_freq = 1.0 / (THETA ** (jnp.arange(0, DH, 2, dtype=jnp.float32) / DH))
    t = jnp.arange(s, dtype=jnp.float32)
    freqs = jnp.outer(t, inv_freq)
    emb = jnp.concatenate([freqs, freqs], axis=-1)
    cos = jnp.cos(emb)[None, None]
    sin = jnp.sin(emb)[None, None]
    q = q * cos + rotate_half(q) * sin
    k = k * cos + rotate_half(k) * sin
    # GQA expand (repeat_interleave over head dim)
    k = jnp.repeat(k, GROUPS, axis=1)
    v = jnp.repeat(v, GROUPS, axis=1)
    # fused QK-norm + causal attention
    qn = rmsnorm(q, q_norm_w)
    kn = rmsnorm(k, k_norm_w)
    scores = jnp.einsum('bhqd,bhkd->bhqk', qn, kn) / jnp.sqrt(jnp.float32(DH))
    causal = jnp.tril(jnp.ones((s, s), dtype=bool))
    scores = jnp.where(causal[None, None], scores, jnp.float32(-1e30))
    probs = jax.nn.softmax(scores, axis=-1)
    attn = jnp.einsum('bhqk,bhkd->bhqd', probs, v)
    attn = attn.transpose(0, 2, 1, 3).reshape(b, s, NH * DH)
    x = resid + attn @ Wo
    # --- token-routed MoE MLP with pre-RMSNorm ---
    resid2 = x
    h2 = rmsnorm(x, ln2_w)
    flat = h2.reshape(-1, HID)
    tid = jnp.clip(token_ids.reshape(-1), 0, VOCAB - 1)
    eid = jnp.minimum(tid // (VOCAB // NEXP), NEXP - 1)
    out = jnp.zeros_like(flat)
    for e in range(NEXP):
        g = flat @ gate_proj[e]
        u = flat @ up_proj[e]
        o = (jax.nn.silu(g) * u) @ down_proj[e]
        out = out + jnp.where((eid == e)[:, None], o, jnp.float32(0.0))
    return resid2 + out.reshape(b, s, HID)

if __name__ == "__main__":
    import jax
    _d = setup_inputs()
    print(jax.jit(kernel)(*tuple(_d.values())))

</pallas_src>

<mosaic_0001>
#map = affine_map<(d0, d1) -> (0, 0)>
#map1 = affine_map<(d0, d1) -> (0)>
module attributes {stable_mosaic.version = 14 : i64} {
  func.func @k(%arg0: i32, %arg1: i32, %arg2: memref<2048x768xf32, #tpu.memory_space<hbm>>, %arg3: memref<2048xi32, #tpu.memory_space<hbm>>, %arg4: memref<2048xi32, #tpu.memory_space<hbm>>, %arg5: memref<6144x768xf32, #tpu.memory_space<hbm>>, %arg6: memref<32xi32, #tpu.memory_space<vmem>>, %arg7: memref<32xi32, #tpu.memory_space<vmem>>, %arg8: memref<32xi32, #tpu.memory_space<vmem>>, %arg9: memref<32xi32, #tpu.memory_space<vmem>>, %arg10: memref<32x768xf32, #tpu.memory_space<vmem>>, %arg11: memref<32x768xf32, #tpu.memory_space<vmem>>, %arg12: memref<!tpu.dma_semaphore, #tpu.memory_space<semaphore_mem>>, %arg13: memref<!tpu.dma_semaphore, #tpu.memory_space<semaphore_mem>>, %arg14: memref<!tpu.dma_semaphore, #tpu.memory_space<semaphore_mem>>, %arg15: memref<!tpu.dma_semaphore, #tpu.memory_space<semaphore_mem>>) attributes {dimension_semantics = [#tpu.dimension_semantics<core_parallel>, #tpu.dimension_semantics<subcore_parallel>], iteration_bounds = array<i64: 2, 16>, scalar_prefetch = 0 : i64, scratch_operands = 10 : i64, tpu.core_type = #tpu.core_type<sc_vector_subcore>, window_params = [{transform_indices = #map}, {transform_indices = #map1}, {transform_indices = #map1}, {transform_indices = #map}]} {
    %mul3A = arith.constant 2 : i32
    %mul3A_0 = arith.muli %arg1, %mul3A : i32
    %add3A = arith.addi %mul3A_0, %arg0 : i32
    %mul3A_1 = arith.constant 64 : i32
    %mul3A_2 = arith.muli %add3A, %mul3A_1 : i32
    "tpu.region"() ({
      %run_scoped3A = tpu.sem_alloc : memref<!tpu.dma_semaphore, #tpu.memory_space<semaphore_mem>>
      %dma_start3A_29 = tpu.memref_slice %arg3[%mul3A_2] : memref<2048xi32, #tpu.memory_space<hbm>> -> memref<32xi32, #tpu.memory_space<hbm>>
      %dma_start3A_30 = tpu.memref_slice %arg3[%mul3A_2] : memref<2048xi32, #tpu.memory_space<hbm>> -> memref<32xi32, #tpu.memory_space<hbm>>
      tpu.enqueue_dma source(%dma_start3A_30 : memref<32xi32, #tpu.memory_space<hbm>>) target(%arg6 : memref<32xi32, #tpu.memory_space<vmem>>) target_semaphore(%run_scoped3A : memref<!tpu.dma_semaphore, #tpu.memory_space<semaphore_mem>>)
      %dma_wait3A_31 = tpu.memref_slice %arg3[%mul3A_2] : memref<2048xi32, #tpu.memory_space<hbm>> -> memref<32xi32, #tpu.memory_space<hbm>>
      %dma_wait3A_32 = tpu.memref_slice %arg3[%mul3A_2] : memref<2048xi32, #tpu.memory_space<hbm>> -> memref<32xi32, #tpu.memory_space<hbm>>
      tpu.wait_dma2 semaphore(%run_scoped3A : memref<!tpu.dma_semaphore, #tpu.memory_space<semaphore_mem>>) src(%dma_wait3A_32 : memref<32xi32, #tpu.memory_space<hbm>>) dst(%arg6 : memref<32xi32, #tpu.memory_space<vmem>>)
      tpu.yield
    }) : () -> ()
    %add3A_3 = arith.constant 32 : i32
    %add3A_4 = arith.addi %mul3A_2, %add3A_3 : i32
    "tpu.region"() ({
      %run_scoped3A = tpu.sem_alloc : memref<!tpu.dma_semaphore, #tpu.memory_space<semaphore_mem>>
      %dma_start3A_29 = tpu.memref_slice %arg3[%add3A_4] : memref<2048xi32, #tpu.memory_space<hbm>> -> memref<32xi32, #tpu.memory_space<hbm>>
      %dma_start3A_30 = tpu.memref_slice %arg3[%add3A_4] : memref<2048xi32, #tpu.memory_space<hbm>> -> memref<32xi32, #tpu.memory_space<hbm>>
      tpu.enqueue_dma source(%dma_start3A_30 : memref<32xi32, #tpu.memory_space<hbm>>) target(%arg7 : memref<32xi32, #tpu.memory_space<vmem>>) target_semaphore(%run_scoped3A : memref<!tpu.dma_semaphore, #tpu.memory_space<semaphore_mem>>)
      %dma_wait3A_31 = tpu.memref_slice %arg3[%add3A_4] : memref<2048xi32, #tpu.memory_space<hbm>> -> memref<32xi32, #tpu.memory_space<hbm>>
      %dma_wait3A_32 = tpu.memref_slice %arg3[%add3A_4] : memref<2048xi32, #tpu.memory_space<hbm>> -> memref<32xi32, #tpu.memory_space<hbm>>
      tpu.wait_dma2 semaphore(%run_scoped3A : memref<!tpu.dma_semaphore, #tpu.memory_space<semaphore_mem>>) src(%dma_wait3A_32 : memref<32xi32, #tpu.memory_space<hbm>>) dst(%arg7 : memref<32xi32, #tpu.memory_space<vmem>>)
      tpu.yield
    }) : () -> ()
    "tpu.region"() ({
      %run_scoped3A = tpu.sem_alloc : memref<!tpu.dma_semaphore, #tpu.memory_space<semaphore_mem>>
      %dma_start3A_29 = tpu.memref_slice %arg4[%mul3A_2] : memref<2048xi32, #tpu.memory_space<hbm>> -> memref<32xi32, #tpu.memory_space<hbm>>
      %dma_start3A_30 = tpu.memref_slice %arg4[%mul3A_2] : memref<2048xi32, #tpu.memory_space<hbm>> -> memref<32xi32, #tpu.memory_space<hbm>>
      tpu.enqueue_dma source(%dma_start3A_30 : memref<32xi32, #tpu.memory_space<hbm>>) target(%arg8 : memref<32xi32, #tpu.memory_space<vmem>>) target_semaphore(%run_scoped3A : memref<!tpu.dma_semaphore, #tpu.memory_space<semaphore_mem>>)
      %dma_wait3A_31 = tpu.memref_slice %arg4[%mul3A_2] : memref<2048xi32, #tpu.memory_space<hbm>> -> memref<32xi32, #tpu.memory_space<hbm>>
      %dma_wait3A_32 = tpu.memref_slice %arg4[%mul3A_2] : memref<2048xi32, #tpu.memory_space<hbm>> -> memref<32xi32, #tpu.memory_space<hbm>>
      tpu.wait_dma2 semaphore(%run_scoped3A : memref<!tpu.dma_semaphore, #tpu.memory_space<semaphore_mem>>) src(%dma_wait3A_32 : memref<32xi32, #tpu.memory_space<hbm>>) dst(%arg8 : memref<32xi32, #tpu.memory_space<vmem>>)
      tpu.yield
    }) : () -> ()
    %add3A_5 = arith.constant 32 : i32
    %add3A_6 = arith.addi %mul3A_2, %add3A_5 : i32
    "tpu.region"() ({
      %run_scoped3A = tpu.sem_alloc : memref<!tpu.dma_semaphore, #tpu.memory_space<semaphore_mem>>
      %dma_start3A_29 = tpu.memref_slice %arg4[%add3A_6] : memref<2048xi32, #tpu.memory_space<hbm>> -> memref<32xi32, #tpu.memory_space<hbm>>
      %dma_start3A_30 = tpu.memref_slice %arg4[%add3A_6] : memref<2048xi32, #tpu.memory_space<hbm>> -> memref<32xi32, #tpu.memory_space<hbm>>
      tpu.enqueue_dma source(%dma_start3A_30 : memref<32xi32, #tpu.memory_space<hbm>>) target(%arg9 : memref<32xi32, #tpu.memory_space<vmem>>) target_semaphore(%run_scoped3A : memref<!tpu.dma_semaphore, #tpu.memory_space<semaphore_mem>>)
      %dma_wait3A_31 = tpu.memref_slice %arg4[%add3A_6] : memref<2048xi32, #tpu.memory_space<hbm>> -> memref<32xi32, #tpu.memory_space<hbm>>
      %dma_wait3A_32 = tpu.memref_slice %arg4[%add3A_6] : memref<2048xi32, #tpu.memory_space<hbm>> -> memref<32xi32, #tpu.memory_space<hbm>>
      tpu.wait_dma2 semaphore(%run_scoped3A : memref<!tpu.dma_semaphore, #tpu.memory_space<semaphore_mem>>) src(%dma_wait3A_32 : memref<32xi32, #tpu.memory_space<hbm>>) dst(%arg9 : memref<32xi32, #tpu.memory_space<vmem>>)
      tpu.yield
    }) : () -> ()
    %dma_start3A = arith.constant 0 : i32
    %dma_start3A_7 = arith.constant 0 : i32
    %dma_start3A_8 = tpu.memref_slice %arg2[%dma_start3A, %dma_start3A_7] : memref<2048x768xf32, #tpu.memory_space<hbm>> -> memref<2048x768xf32, #tpu.memory_space<hbm>>
    tpu.enqueue_indirect_dma source(%dma_start3A_8 : memref<2048x768xf32, #tpu.memory_space<hbm>>) target(%arg10 : memref<32x768xf32, #tpu.memory_space<vmem>>) offsets(%arg6 : memref<32xi32, #tpu.memory_space<vmem>>) semaphore(%arg12 : memref<!tpu.dma_semaphore, #tpu.memory_space<semaphore_mem>>)
    %dma_start3A_9 = arith.constant 0 : i32
    %dma_start3A_10 = arith.constant 0 : i32
    %dma_start3A_11 = tpu.memref_slice %arg2[%dma_start3A_9, %dma_start3A_10] : memref<2048x768xf32, #tpu.memory_space<hbm>> -> memref<2048x768xf32, #tpu.memory_space<hbm>>
    tpu.enqueue_indirect_dma source(%dma_start3A_11 : memref<2048x768xf32, #tpu.memory_space<hbm>>) target(%arg11 : memref<32x768xf32, #tpu.memory_space<vmem>>) offsets(%arg7 : memref<32xi32, #tpu.memory_space<vmem>>) semaphore(%arg13 : memref<!tpu.dma_semaphore, #tpu.memory_space<semaphore_mem>>)
    %dma_wait3A = arith.constant 0 : i32
    %dma_wait3A_12 = arith.constant 0 : i32
    %dma_wait3A_13 = tpu.memref_slice %arg2[%dma_wait3A, %dma_wait3A_12] : memref<2048x768xf32, #tpu.memory_space<hbm>> -> memref<2048x768xf32, #tpu.memory_space<hbm>>
    tpu.wait_indirect_dma semaphore(%arg12 : memref<!tpu.dma_semaphore, #tpu.memory_space<semaphore_mem>>) src(%dma_wait3A_13 : memref<2048x768xf32, #tpu.memory_space<hbm>>) dst(%arg10 : memref<32x768xf32, #tpu.memory_space<vmem>>)
    %dma_start3A_14 = arith.constant 0 : i32
    %dma_start3A_15 = arith.constant 0 : i32
    %dma_start3A_16 = tpu.memref_slice %arg5[%dma_start3A_14, %dma_start3A_15] : memref<6144x768xf32, #tpu.memory_space<hbm>> -> memref<6144x768xf32, #tpu.memory_space<hbm>>
    tpu.enqueue_indirect_dma source(%arg10 : memref<32x768xf32, #tpu.memory_space<vmem>>) target(%dma_start3A_16 : memref<6144x768xf32, #tpu.memory_space<hbm>>) offsets(%arg8 : memref<32xi32, #tpu.memory_space<vmem>>) semaphore(%arg14 : memref<!tpu.dma_semaphore, #tpu.memory_space<semaphore_mem>>)
    %dma_wait3A_17 = arith.constant 0 : i32
    %dma_wait3A_18 = arith.constant 0 : i32
    %dma_wait3A_19 = tpu.memref_slice %arg2[%dma_wait3A_17, %dma_wait3A_18] : memref<2048x768xf32, #tpu.memory_space<hbm>> -> memref<2048x768xf32, #tpu.memory_space<hbm>>
    tpu.wait_indirect_dma semaphore(%arg13 : memref<!tpu.dma_semaphore, #tpu.memory_space<semaphore_mem>>) src(%dma_wait3A_19 : memref<2048x768xf32, #tpu.memory_space<hbm>>) dst(%arg11 : memref<32x768xf32, #tpu.memory_space<vmem>>)
    %dma_start3A_20 = arith.constant 0 : i32
    %dma_start3A_21 = arith.constant 0 : i32
    %dma_start3A_22 = tpu.memref_slice %arg5[%dma_start3A_20, %dma_start3A_21] : memref<6144x768xf32, #tpu.memory_space<hbm>> -> memref<6144x768xf32, #tpu.memory_space<hbm>>
    tpu.enqueue_indirect_dma source(%arg11 : memref<32x768xf32, #tpu.memory_space<vmem>>) target(%dma_start3A_22 : memref<6144x768xf32, #tpu.memory_space<hbm>>) offsets(%arg9 : memref<32xi32, #tpu.memory_space<vmem>>) semaphore(%arg15 : memref<!tpu.dma_semaphore, #tpu.memory_space<semaphore_mem>>)
    %dma_wait3A_23 = arith.constant 0 : i32
    %dma_wait3A_24 = arith.constant 0 : i32
    %dma_wait3A_25 = tpu.memref_slice %arg5[%dma_wait3A_23, %dma_wait3A_24] : memref<6144x768xf32, #tpu.memory_space<hbm>> -> memref<6144x768xf32, #tpu.memory_space<hbm>>
    tpu.wait_indirect_dma semaphore(%arg14 : memref<!tpu.dma_semaphore, #tpu.memory_space<semaphore_mem>>) src(%arg10 : memref<32x768xf32, #tpu.memory_space<vmem>>) dst(%dma_wait3A_25 : memref<6144x768xf32, #tpu.memory_space<hbm>>)
    %dma_wait3A_26 = arith.constant 0 : i32
    %dma_wait3A_27 = arith.constant 0 : i32
    %dma_wait3A_28 = tpu.memref_slice %arg5[%dma_wait3A_26, %dma_wait3A_27] : memref<6144x768xf32, #tpu.memory_space<hbm>> -> memref<6144x768xf32, #tpu.memory_space<hbm>>
    tpu.wait_indirect_dma semaphore(%arg15 : memref<!tpu.dma_semaphore, #tpu.memory_space<semaphore_mem>>) src(%arg11 : memref<32x768xf32, #tpu.memory_space<vmem>>) dst(%dma_wait3A_28 : memref<6144x768xf32, #tpu.memory_space<hbm>>)
    return
  }
}

#map = affine_map<(d0, d1) -> (0, 0)>
#map1 = affine_map<(d0, d1) -> (0)>
module attributes {stable_mosaic.version = 14 : i64} {
  func.func @k(%arg0: i32, %arg1: i32, %arg2: memref<6144x768xf32, #tpu.memory_space<hbm>>, %arg3: memref<2048xi32, #tpu.memory_space<hbm>>, %arg4: memref<2048xi32, #tpu.memory_space<hbm>>, %arg5: memref<2048x768xf32, #tpu.memory_space<hbm>>, %arg6: memref<32xi32, #tpu.memory_space<vmem>>, %arg7: memref<32xi32, #tpu.memory_space<vmem>>, %arg8: memref<32xi32, #tpu.memory_space<vmem>>, %arg9: memref<32xi32, #tpu.memory_space<vmem>>, %arg10: memref<32x768xf32, #tpu.memory_space<vmem>>, %arg11: memref<32x768xf32, #tpu.memory_space<vmem>>, %arg12: memref<!tpu.dma_semaphore, #tpu.memory_space<semaphore_mem>>, %arg13: memref<!tpu.dma_semaphore, #tpu.memory_space<semaphore_mem>>, %arg14: memref<!tpu.dma_semaphore, #tpu.memory_space<semaphore_mem>>, %arg15: memref<!tpu.dma_semaphore, #tpu.memory_space<semaphore_mem>>) attributes {dimension_semantics = [#tpu.dimension_semantics<core_parallel>, #tpu.dimension_semantics<subcore_parallel>], iteration_bounds = array<i64: 2, 16>, scalar_prefetch = 0 : i64, scratch_operands = 10 : i64, tpu.core_type = #tpu.core_type<sc_vector_subcore>, window_params = [{transform_indices = #map}, {transform_indices = #map1}, {transform_indices = #map1}, {transform_indices = #map}]} {
    %mul3A = arith.constant 2 : i32
    %mul3A_0 = arith.muli %arg1, %mul3A : i32
    %add3A = arith.addi %mul3A_0, %arg0 : i32
    %mul3A_1 = arith.constant 64 : i32
    %mul3A_2 = arith.muli %add3A, %mul3A_1 : i32
    "tpu.region"() ({
      %run_scoped3A = tpu.sem_alloc : memref<!tpu.dma_semaphore, #tpu.memory_space<semaphore_mem>>
      %dma_start3A_29 = tpu.memref_slice %arg4[%mul3A_2] : memref<2048xi32, #tpu.memory_space<hbm>> -> memref<32xi32, #tpu.memory_space<hbm>>
      %dma_start3A_30 = tpu.memref_slice %arg4[%mul3A_2] : memref<2048xi32, #tpu.memory_space<hbm>> -> memref<32xi32, #tpu.memory_space<hbm>>
      tpu.enqueue_dma source(%dma_start3A_30 : memref<32xi32, #tpu.memory_space<hbm>>) target(%arg6 : memref<32xi32, #tpu.memory_space<vmem>>) target_semaphore(%run_scoped3A : memref<!tpu.dma_semaphore, #tpu.memory_space<semaphore_mem>>)
      %dma_wait3A_31 = tpu.memref_slice %arg4[%mul3A_2] : memref<2048xi32, #tpu.memory_space<hbm>> -> memref<32xi32, #tpu.memory_space<hbm>>
      %dma_wait3A_32 = tpu.memref_slice %arg4[%mul3A_2] : memref<2048xi32, #tpu.memory_space<hbm>> -> memref<32xi32, #tpu.memory_space<hbm>>
      tpu.wait_dma2 semaphore(%run_scoped3A : memref<!tpu.dma_semaphore, #tpu.memory_space<semaphore_mem>>) src(%dma_wait3A_32 : memref<32xi32, #tpu.memory_space<hbm>>) dst(%arg6 : memref<32xi32, #tpu.memory_space<vmem>>)
      tpu.yield
    }) : () -> ()
    %add3A_3 = arith.constant 32 : i32
    %add3A_4 = arith.addi %mul3A_2, %add3A_3 : i32
    "tpu.region"() ({
      %run_scoped3A = tpu.sem_alloc : memref<!tpu.dma_semaphore, #tpu.memory_space<semaphore_mem>>
      %dma_start3A_29 = tpu.memref_slice %arg4[%add3A_4] : memref<2048xi32, #tpu.memory_space<hbm>> -> memref<32xi32, #tpu.memory_space<hbm>>
      %dma_start3A_30 = tpu.memref_slice %arg4[%add3A_4] : memref<2048xi32, #tpu.memory_space<hbm>> -> memref<32xi32, #tpu.memory_space<hbm>>
      tpu.enqueue_dma source(%dma_start3A_30 : memref<32xi32, #tpu.memory_space<hbm>>) target(%arg7 : memref<32xi32, #tpu.memory_space<vmem>>) target_semaphore(%run_scoped3A : memref<!tpu.dma_semaphore, #tpu.memory_space<semaphore_mem>>)
      %dma_wait3A_31 = tpu.memref_slice %arg4[%add3A_4] : memref<2048xi32, #tpu.memory_space<hbm>> -> memref<32xi32, #tpu.memory_space<hbm>>
      %dma_wait3A_32 = tpu.memref_slice %arg4[%add3A_4] : memref<2048xi32, #tpu.memory_space<hbm>> -> memref<32xi32, #tpu.memory_space<hbm>>
      tpu.wait_dma2 semaphore(%run_scoped3A : memref<!tpu.dma_semaphore, #tpu.memory_space<semaphore_mem>>) src(%dma_wait3A_32 : memref<32xi32, #tpu.memory_space<hbm>>) dst(%arg7 : memref<32xi32, #tpu.memory_space<vmem>>)
      tpu.yield
    }) : () -> ()
    "tpu.region"() ({
      %run_scoped3A = tpu.sem_alloc : memref<!tpu.dma_semaphore, #tpu.memory_space<semaphore_mem>>
      %dma_start3A_29 = tpu.memref_slice %arg3[%mul3A_2] : memref<2048xi32, #tpu.memory_space<hbm>> -> memref<32xi32, #tpu.memory_space<hbm>>
      %dma_start3A_30 = tpu.memref_slice %arg3[%mul3A_2] : memref<2048xi32, #tpu.memory_space<hbm>> -> memref<32xi32, #tpu.memory_space<hbm>>
      tpu.enqueue_dma source(%dma_start3A_30 : memref<32xi32, #tpu.memory_space<hbm>>) target(%arg8 : memref<32xi32, #tpu.memory_space<vmem>>) target_semaphore(%run_scoped3A : memref<!tpu.dma_semaphore, #tpu.memory_space<semaphore_mem>>)
      %dma_wait3A_31 = tpu.memref_slice %arg3[%mul3A_2] : memref<2048xi32, #tpu.memory_space<hbm>> -> memref<32xi32, #tpu.memory_space<hbm>>
      %dma_wait3A_32 = tpu.memref_slice %arg3[%mul3A_2] : memref<2048xi32, #tpu.memory_space<hbm>> -> memref<32xi32, #tpu.memory_space<hbm>>
      tpu.wait_dma2 semaphore(%run_scoped3A : memref<!tpu.dma_semaphore, #tpu.memory_space<semaphore_mem>>) src(%dma_wait3A_32 : memref<32xi32, #tpu.memory_space<hbm>>) dst(%arg8 : memref<32xi32, #tpu.memory_space<vmem>>)
      tpu.yield
    }) : () -> ()
    %add3A_5 = arith.constant 32 : i32
    %add3A_6 = arith.addi %mul3A_2, %add3A_5 : i32
    "tpu.region"() ({
      %run_scoped3A = tpu.sem_alloc : memref<!tpu.dma_semaphore, #tpu.memory_space<semaphore_mem>>
      %dma_start3A_29 = tpu.memref_slice %arg3[%add3A_6] : memref<2048xi32, #tpu.memory_space<hbm>> -> memref<32xi32, #tpu.memory_space<hbm>>
      %dma_start3A_30 = tpu.memref_slice %arg3[%add3A_6] : memref<2048xi32, #tpu.memory_space<hbm>> -> memref<32xi32, #tpu.memory_space<hbm>>
      tpu.enqueue_dma source(%dma_start3A_30 : memref<32xi32, #tpu.memory_space<hbm>>) target(%arg9 : memref<32xi32, #tpu.memory_space<vmem>>) target_semaphore(%run_scoped3A : memref<!tpu.dma_semaphore, #tpu.memory_space<semaphore_mem>>)
      %dma_wait3A_31 = tpu.memref_slice %arg3[%add3A_6] : memref<2048xi32, #tpu.memory_space<hbm>> -> memref<32xi32, #tpu.memory_space<hbm>>
      %dma_wait3A_32 = tpu.memref_slice %arg3[%add3A_6] : memref<2048xi32, #tpu.memory_space<hbm>> -> memref<32xi32, #tpu.memory_space<hbm>>
      tpu.wait_dma2 semaphore(%run_scoped3A : memref<!tpu.dma_semaphore, #tpu.memory_space<semaphore_mem>>) src(%dma_wait3A_32 : memref<32xi32, #tpu.memory_space<hbm>>) dst(%arg9 : memref<32xi32, #tpu.memory_space<vmem>>)
      tpu.yield
    }) : () -> ()
    %dma_start3A = arith.constant 0 : i32
    %dma_start3A_7 = arith.constant 0 : i32
    %dma_start3A_8 = tpu.memref_slice %arg2[%dma_start3A, %dma_start3A_7] : memref<6144x768xf32, #tpu.memory_space<hbm>> -> memref<6144x768xf32, #tpu.memory_space<hbm>>
    tpu.enqueue_indirect_dma source(%dma_start3A_8 : memref<6144x768xf32, #tpu.memory_space<hbm>>) target(%arg10 : memref<32x768xf32, #tpu.memory_space<vmem>>) offsets(%arg6 : memref<32xi32, #tpu.memory_space<vmem>>) semaphore(%arg12 : memref<!tpu.dma_semaphore, #tpu.memory_space<semaphore_mem>>)
    %dma_start3A_9 = arith.constant 0 : i32
    %dma_start3A_10 = arith.constant 0 : i32
    %dma_start3A_11 = tpu.memref_slice %arg2[%dma_start3A_9, %dma_start3A_10] : memref<6144x768xf32, #tpu.memory_space<hbm>> -> memref<6144x768xf32, #tpu.memory_space<hbm>>
    tpu.enqueue_indirect_dma source(%dma_start3A_11 : memref<6144x768xf32, #tpu.memory_space<hbm>>) target(%arg11 : memref<32x768xf32, #tpu.memory_space<vmem>>) offsets(%arg7 : memref<32xi32, #tpu.memory_space<vmem>>) semaphore(%arg13 : memref<!tpu.dma_semaphore, #tpu.memory_space<semaphore_mem>>)
    %dma_wait3A = arith.constant 0 : i32
    %dma_wait3A_12 = arith.constant 0 : i32
    %dma_wait3A_13 = tpu.memref_slice %arg2[%dma_wait3A, %dma_wait3A_12] : memref<6144x768xf32, #tpu.memory_space<hbm>> -> memref<6144x768xf32, #tpu.memory_space<hbm>>
    tpu.wait_indirect_dma semaphore(%arg12 : memref<!tpu.dma_semaphore, #tpu.memory_space<semaphore_mem>>) src(%dma_wait3A_13 : memref<6144x768xf32, #tpu.memory_space<hbm>>) dst(%arg10 : memref<32x768xf32, #tpu.memory_space<vmem>>)
    %dma_start3A_14 = arith.constant 0 : i32
    %dma_start3A_15 = arith.constant 0 : i32
    %dma_start3A_16 = tpu.memref_slice %arg5[%dma_start3A_14, %dma_start3A_15] : memref<2048x768xf32, #tpu.memory_space<hbm>> -> memref<2048x768xf32, #tpu.memory_space<hbm>>
    tpu.enqueue_indirect_dma source(%arg10 : memref<32x768xf32, #tpu.memory_space<vmem>>) target(%dma_start3A_16 : memref<2048x768xf32, #tpu.memory_space<hbm>>) offsets(%arg8 : memref<32xi32, #tpu.memory_space<vmem>>) semaphore(%arg14 : memref<!tpu.dma_semaphore, #tpu.memory_space<semaphore_mem>>)
    %dma_wait3A_17 = arith.constant 0 : i32
    %dma_wait3A_18 = arith.constant 0 : i32
    %dma_wait3A_19 = tpu.memref_slice %arg2[%dma_wait3A_17, %dma_wait3A_18] : memref<6144x768xf32, #tpu.memory_space<hbm>> -> memref<6144x768xf32, #tpu.memory_space<hbm>>
    tpu.wait_indirect_dma semaphore(%arg13 : memref<!tpu.dma_semaphore, #tpu.memory_space<semaphore_mem>>) src(%dma_wait3A_19 : memref<6144x768xf32, #tpu.memory_space<hbm>>) dst(%arg11 : memref<32x768xf32, #tpu.memory_space<vmem>>)
    %dma_start3A_20 = arith.constant 0 : i32
    %dma_start3A_21 = arith.constant 0 : i32
    %dma_start3A_22 = tpu.memref_slice %arg5[%dma_start3A_20, %dma_start3A_21] : memref<2048x768xf32, #tpu.memory_space<hbm>> -> memref<2048x768xf32, #tpu.memory_space<hbm>>
    tpu.enqueue_indirect_dma source(%arg11 : memref<32x768xf32, #tpu.memory_space<vmem>>) target(%dma_start3A_22 : memref<2048x768xf32, #tpu.memory_space<hbm>>) offsets(%arg9 : memref<32xi32, #tpu.memory_space<vmem>>) semaphore(%arg15 : memref<!tpu.dma_semaphore, #tpu.memory_space<semaphore_mem>>)
    %dma_wait3A_23 = arith.constant 0 : i32
    %dma_wait3A_24 = arith.constant 0 : i32
    %dma_wait3A_25 = tpu.memref_slice %arg5[%dma_wait3A_23, %dma_wait3A_24] : memref<2048x768xf32, #tpu.memory_space<hbm>> -> memref<2048x768xf32, #tpu.memory_space<hbm>>
    tpu.wait_indirect_dma semaphore(%arg14 : memref<!tpu.dma_semaphore, #tpu.memory_space<semaphore_mem>>) src(%arg10 : memref<32x768xf32, #tpu.memory_space<vmem>>) dst(%dma_wait3A_25 : memref<2048x768xf32, #tpu.memory_space<hbm>>)
    %dma_wait3A_26 = arith.constant 0 : i32
    %dma_wait3A_27 = arith.constant 0 : i32
    %dma_wait3A_28 = tpu.memref_slice %arg5[%dma_wait3A_26, %dma_wait3A_27] : memref<2048x768xf32, #tpu.memory_space<hbm>> -> memref<2048x768xf32, #tpu.memory_space<hbm>>
    tpu.wait_indirect_dma semaphore(%arg15 : memref<!tpu.dma_semaphore, #tpu.memory_space<semaphore_mem>>) src(%arg11 : memref<32x768xf32, #tpu.memory_space<vmem>>) dst(%dma_wait3A_28 : memref<2048x768xf32, #tpu.memory_space<hbm>>)
    return
  }
}

module attributes {stable_mosaic.version = 14 : i64} {
  func.func @_qkv_body(%arg0: i32, %arg1: memref<256x768xf32, #tpu.memory_space<vmem>>, %arg2: memref<768x768xf32, #tpu.memory_space<vmem>>, %arg3: memref<768x256xf32, #tpu.memory_space<vmem>>, %arg4: memref<768x256xf32, #tpu.memory_space<vmem>>, %arg5: memref<1x768xf32, #tpu.memory_space<vmem>>, %arg6: memref<1x64xf32, #tpu.memory_space<vmem>>, %arg7: memref<1x64xf32, #tpu.memory_space<vmem>>, %arg8: memref<256x32xf32, #tpu.memory_space<vmem>>, %arg9: memref<256x32xf32, #tpu.memory_space<vmem>>, %arg10: memref<12x256x64xbf16, #tpu.memory_space<vmem>>, %arg11: memref<4x256x64xbf16, #tpu.memory_space<vmem>>, %arg12: memref<4x256x128xbf16, #tpu.memory_space<vmem>>) attributes {dimension_semantics = [#tpu.dimension_semantics<arbitrary>], iteration_bounds = array<i64: 8>, scalar_prefetch = 0 : i64, scratch_operands = 0 : i64, tpu.core_type = #tpu.core_type<tc>, window_params = [{transform_indices = @transform_0, window_bounds = array<i64: 256, 768>}, {pipeline_mode = #tpu.pipeline_mode<synchronous>, transform_indices = @transform_1, window_bounds = array<i64: 768, 768>}, {pipeline_mode = #tpu.pipeline_mode<synchronous>, transform_indices = @transform_2, window_bounds = array<i64: 768, 256>}, {pipeline_mode = #tpu.pipeline_mode<synchronous>, transform_indices = @transform_3, window_bounds = array<i64: 768, 256>}, {pipeline_mode = #tpu.pipeline_mode<synchronous>, transform_indices = @transform_4, window_bounds = array<i64: 1, 768>}, {pipeline_mode = #tpu.pipeline_mode<synchronous>, transform_indices = @transform_5, window_bounds = array<i64: 1, 64>}, {pipeline_mode = #tpu.pipeline_mode<synchronous>, transform_indices = @transform_6, window_bounds = array<i64: 1, 64>}, {transform_indices = @transform_7, window_bounds = array<i64: 256, 32>}, {transform_indices = @transform_8, window_bounds = array<i64: 256, 32>}, {transform_indices = @transform_9, window_bounds = array<i64: 12, 256, 64>}, {transform_indices = @transform_10, window_bounds = array<i64: 4, 256, 64>}, {transform_indices = @transform_11, window_bounds = array<i64: 4, 256, 128>}]} {
    %get3A = arith.constant 0 : index
    %get3A_0 = arith.constant 0 : index
    %get3A_1 = vector.load %arg1[%get3A, %get3A_0] : memref<256x768xf32, #tpu.memory_space<vmem>>, vector<256x768xf32>
    %get3A_2 = arith.constant 0 : index
    %get3A_3 = arith.constant 0 : index
    %get3A_4 = vector.load %arg5[%get3A_2, %get3A_3] : memref<1x768xf32, #tpu.memory_space<vmem>>, vector<1x768xf32>
    %mul3A = arith.mulf %get3A_1, %get3A_1 : vector<256x768xf32>
    %reduce_sum3A = arith.constant dense<0.000000e+00> : vector<256xf32>
    %reduce_sum3A_5 = vector.multi_reduction <add>, %mul3A, %reduce_sum3A [1] : vector<256x768xf32> to vector<256xf32>
    %broadcast_in_dim3A = vector.shape_cast %reduce_sum3A_5 : vector<256xf32> to vector<256x1xf32>
    %div3A = arith.constant 7.680000e+02 : f32
    %div3A_6 = vector.broadcast %div3A : f32 to vector<256x1xf32>
    %div3A_7 = arith.divf %broadcast_in_dim3A, %div3A_6 : vector<256x1xf32>
    %add3A = arith.constant 9.99999997E-7 : f32
    %add3A_8 = vector.broadcast %add3A : f32 to vector<256x1xf32>
    %add3A_9 = arith.addf %div3A_7, %add3A_8 : vector<256x1xf32>
    %rsqrt3A = math.rsqrt %add3A_9 : vector<256x1xf32>
    %mul3A_10 = vector.broadcast %rsqrt3A : vector<256x1xf32> to vector<256x768xf32>
    %mul3A_11 = arith.mulf %get3A_1, %mul3A_10 : vector<256x768xf32>
    %mul3A_12 = vector.broadcast %get3A_4 : vector<1x768xf32> to vector<256x768xf32>
    %mul3A_13 = arith.mulf %mul3A_11, %mul3A_12 : vector<256x768xf32>
    %get3A_14 = arith.constant 0 : index
    %get3A_15 = arith.constant 0 : index
    %get3A_16 = vector.load %arg2[%get3A_14, %get3A_15] : memref<768x768xf32, #tpu.memory_space<vmem>>, vector<768x768xf32>
    %dot_general3A = arith.constant dense<0.000000e+00> : vector<256x768xf32>
    %dot_general3A_17 = tpu.matmul %mul3A_13, %get3A_16, %dot_general3A {dimension_numbers = #tpu.dot_dimension_numbers<[1], [0], [0], [1], [0, 0, 1, 1], [], []>, transpose_lhs_hint = false} : vector<256x768xf32>, vector<768x768xf32>, vector<256x768xf32> -> vector<256x768xf32>
    %get3A_18 = arith.constant 0 : index
    %get3A_19 = arith.constant 0 : index
    %get3A_20 = vector.load %arg3[%get3A_18, %get3A_19] : memref<768x256xf32, #tpu.memory_space<vmem>>, vector<768x256xf32>
    %dot_general3A_21 = arith.constant dense<0.000000e+00> : vector<256x256xf32>
    %dot_general3A_22 = tpu.matmul %mul3A_13, %get3A_20, %dot_general3A_21 {dimension_numbers = #tpu.dot_dimension_numbers<[1], [0], [0], [1], [0, 0, 1, 1], [], []>, transpose_lhs_hint = false} : vector<256x768xf32>, vector<768x256xf32>, vector<256x256xf32> -> vector<256x256xf32>
    %get3A_23 = arith.constant 0 : index
    %get3A_24 = arith.constant 0 : index
    %get3A_25 = vector.load %arg4[%get3A_23, %get3A_24] : memref<768x256xf32, #tpu.memory_space<vmem>>, vector<768x256xf32>
    %dot_general3A_26 = arith.constant dense<0.000000e+00> : vector<256x256xf32>
    %dot_general3A_27 = tpu.matmul %mul3A_13, %get3A_25, %dot_general3A_26 {dimension_numbers = #tpu.dot_dimension_numbers<[1], [0], [0], [1], [0, 0, 1, 1], [], []>, transpose_lhs_hint = false} : vector<256x768xf32>, vector<768x256xf32>, vector<256x256xf32> -> vector<256x256xf32>
    %get3A_28 = arith.constant 0 : index
    %get3A_29 = arith.constant 0 : index
    %get3A_30 = vector.load %arg8[%get3A_28, %get3A_29] : memref<256x32xf32, #tpu.memory_space<vmem>>, vector<256x32xf32>
    %get3A_31 = arith.constant 0 : index
    %get3A_32 = arith.constant 0 : index
    %get3A_33 = vector.load %arg9[%get3A_31, %get3A_32] : memref<256x32xf32, #tpu.memory_space<vmem>>, vector<256x32xf32>
    %slice3A = vector.extract_strided_slice %dot_general3A_17 {offsets = [0, 0], sizes = [256, 64], strides = [1, 1]} : vector<256x768xf32> to vector<256x64xf32>
    %get3A_34 = arith.constant 0 : index
    %get3A_35 = arith.constant 0 : index
    %get3A_36 = vector.load %arg6[%get3A_34, %get3A_35] : memref<1x64xf32, #tpu.memory_space<vmem>>, vector<1x64xf32>
    %mul3A_37 = arith.mulf %slice3A, %slice3A : vector<256x64xf32>
    %reduce_sum3A_38 = arith.constant dense<0.000000e+00> : vector<256xf32>
    %reduce_sum3A_39 = vector.multi_reduction <add>, %mul3A_37, %reduce_sum3A_38 [1] : vector<256x64xf32> to vector<256xf32>
    %broadcast_in_dim3A_40 = vector.shape_cast %reduce_sum3A_39 : vector<256xf32> to vector<256x1xf32>
    %div3A_41 = arith.constant 6.400000e+01 : f32
    %div3A_42 = vector.broadcast %div3A_41 : f32 to vector<256x1xf32>
    %div3A_43 = arith.divf %broadcast_in_dim3A_40, %div3A_42 : vector<256x1xf32>
    %slice3A_44 = vector.extract_strided_slice %slice3A {offsets = [0, 0], sizes = [256, 32], strides = [1, 1]} : vector<256x64xf32> to vector<256x32xf32>
    %slice3A_45 = vector.extract_strided_slice %slice3A {offsets = [0, 32], sizes = [256, 32], strides = [1, 1]} : vector<256x64xf32> to vector<256x32xf32>
    %mul3A_46 = arith.mulf %slice3A_44, %get3A_30 : vector<256x32xf32>
    %mul3A_47 = arith.mulf %slice3A_45, %get3A_33 : vector<256x32xf32>
    %sub3A = arith.subf %mul3A_46, %mul3A_47 : vector<256x32xf32>
    %mul3A_48 = arith.mulf %slice3A_45, %get3A_30 : vector<256x32xf32>
    %mul3A_49 = arith.mulf %slice3A_44, %get3A_33 : vector<256x32xf32>
    %add3A_50 = arith.addf %mul3A_48, %mul3A_49 : vector<256x32xf32>
    %concatenate3A = tpu.concatenate %sub3A, %add3A_50 in 1 : vector<256x32xf32>, vector<256x32xf32> -> vector<256x64xf32>
    %add3A_51 = arith.constant 9.99999997E-7 : f32
    %add3A_52 = vector.broadcast %add3A_51 : f32 to vector<256x1xf32>
    %add3A_53 = arith.addf %div3A_43, %add3A_52 : vector<256x1xf32>
    %rsqrt3A_54 = math.rsqrt %add3A_53 : vector<256x1xf32>
    %mul3A_55 = vector.broadcast %rsqrt3A_54 : vector<256x1xf32> to vector<256x64xf32>
    %mul3A_56 = arith.mulf %concatenate3A, %mul3A_55 : vector<256x64xf32>
    %mul3A_57 = vector.broadcast %get3A_36 : vector<1x64xf32> to vector<256x64xf32>
    %mul3A_58 = arith.mulf %mul3A_56, %mul3A_57 : vector<256x64xf32>
    %convert_element_type3A = arith.truncf %mul3A_58 : vector<256x64xf32> to vector<256x64xbf16>
    %swap3A = arith.constant 0 : index
    %swap3A_59 = arith.constant 0 : index
    %swap3A_60 = arith.constant 0 : index
    %swap3A_61 = vector.load %arg10[%swap3A, %swap3A_59, %swap3A_60] : memref<12x256x64xbf16, #tpu.memory_space<vmem>>, vector<1x256x64xbf16>
    %swap3A_62 = vector.shape_cast %swap3A_61 : vector<1x256x64xbf16> to vector<256x64xbf16>
    %swap3A_63 = vector.shape_cast %convert_element_type3A : vector<256x64xbf16> to vector<1x256x64xbf16>
    tpu.vector_store %arg10[%swap3A, %swap3A_59, %swap3A_60], %swap3A_63 {strides = array<i32>} : memref<12x256x64xbf16, #tpu.memory_space<vmem>>, vector<1x256x64xbf16>,
    %slice3A_64 = vector.extract_strided_slice %dot_general3A_17 {offsets = [0, 64], sizes = [256, 64], strides = [1, 1]} : vector<256x768xf32> to vector<256x64xf32>
    %get3A_65 = arith.constant 0 : index
    %get3A_66 = arith.constant 0 : index
    %get3A_67 = vector.load %arg6[%get3A_65, %get3A_66] : memref<1x64xf32, #tpu.memory_space<vmem>>, vector<1x64xf32>
    %mul3A_68 = arith.mulf %slice3A_64, %slice3A_64 : vector<256x64xf32>
    %reduce_sum3A_69 = arith.constant dense<0.000000e+00> : vector<256xf32>
    %reduce_sum3A_70 = vector.multi_reduction <add>, %mul3A_68, %reduce_sum3A_69 [1] : vector<256x64xf32> to vector<256xf32>
    %broadcast_in_dim3A_71 = vector.shape_cast %reduce_sum3A_70 : vector<256xf32> to vector<256x1xf32>
    %div3A_72 = arith.constant 6.400000e+01 : f32
    %div3A_73 = vector.broadcast %div3A_72 : f32 to vector<256x1xf32>
    %div3A_74 = arith.divf %broadcast_in_dim3A_71, %div3A_73 : vector<256x1xf32>
    %slice3A_75 = vector.extract_strided_slice %slice3A_64 {offsets = [0, 0], sizes = [256, 32], strides = [1, 1]} : vector<256x64xf32> to vector<256x32xf32>
    %slice3A_76 = vector.extract_strided_slice %slice3A_64 {offsets = [0, 32], sizes = [256, 32], strides = [1, 1]} : vector<256x64xf32> to vector<256x32xf32>
    %mul3A_77 = arith.mulf %slice3A_75, %get3A_30 : vector<256x32xf32>
    %mul3A_78 = arith.mulf %slice3A_76, %get3A_33 : vector<256x32xf32>
    %sub3A_79 = arith.subf %mul3A_77, %mul3A_78 : vector<256x32xf32>
    %mul3A_80 = arith.mulf %slice3A_76, %get3A_30 : vector<256x32xf32>
    %mul3A_81 = arith.mulf %slice3A_75, %get3A_33 : vector<256x32xf32>
    %add3A_82 = arith.addf %mul3A_80, %mul3A_81 : vector<256x32xf32>
    %concatenate3A_83 = tpu.concatenate %sub3A_79, %add3A_82 in 1 : vector<256x32xf32>, vector<256x32xf32> -> vector<256x64xf32>
    %add3A_84 = arith.constant 9.99999997E-7 : f32
    %add3A_85 = vector.broadcast %add3A_84 : f32 to vector<256x1xf32>
    %add3A_86 = arith.addf %div3A_74, %add3A_85 : vector<256x1xf32>
    %rsqrt3A_87 = math.rsqrt %add3A_86 : vector<256x1xf32>
    %mul3A_88 = vector.broadcast %rsqrt3A_87 : vector<256x1xf32> to vector<256x64xf32>
    %mul3A_89 = arith.mulf %concatenate3A_83, %mul3A_88 : vector<256x64xf32>
    %mul3A_90 = vector.broadcast %get3A_67 : vector<1x64xf32> to vector<256x64xf32>
    %mul3A_91 = arith.mulf %mul3A_89, %mul3A_90 : vector<256x64xf32>
    %convert_element_type3A_92 = arith.truncf %mul3A_91 : vector<256x64xf32> to vector<256x64xbf16>
    %swap3A_93 = arith.constant 1 : index
    %swap3A_94 = arith.constant 0 : index
    %swap3A_95 = arith.constant 0 : index
    %swap3A_96 = vector.load %arg10[%swap3A_93, %swap3A_94, %swap3A_95] : memref<12x256x64xbf16, #tpu.memory_space<vmem>>, vector<1x256x64xbf16>
    %swap3A_97 = vector.shape_cast %swap3A_96 : vector<1x256x64xbf16> to vector<256x64xbf16>
    %swap3A_98 = vector.shape_cast %convert_element_type3A_92 : vector<256x64xbf16> to vector<1x256x64xbf16>
    tpu.vector_store %arg10[%swap3A_93, %swap3A_94, %swap3A_95], %swap3A_98 {strides = array<i32>} : memref<12x256x64xbf16, #tpu.memory_space<vmem>>, vector<1x256x64xbf16>,
    %slice3A_99 = vector.extract_strided_slice %dot_general3A_17 {offsets = [0, 128], sizes = [256, 64], strides = [1, 1]} : vector<256x768xf32> to vector<256x64xf32>
    %get3A_100 = arith.constant 0 : index
    %get3A_101 = arith.constant 0 : index
    %get3A_102 = vector.load %arg6[%get3A_100, %get3A_101] : memref<1x64xf32, #tpu.memory_space<vmem>>, vector<1x64xf32>
    %mul3A_103 = arith.mulf %slice3A_99, %slice3A_99 : vector<256x64xf32>
    %reduce_sum3A_104 = arith.constant dense<0.000000e+00> : vector<256xf32>
    %reduce_sum3A_105 = vector.multi_reduction <add>, %mul3A_103, %reduce_sum3A_104 [1] : vector<256x64xf32> to vector<256xf32>
    %broadcast_in_dim3A_106 = vector.shape_cast %reduce_sum3A_105 : vector<256xf32> to vector<256x1xf32>
    %div3A_107 = arith.constant 6.400000e+01 : f32
    %div3A_108 = vector.broadcast %div3A_107 : f32 to vector<256x1xf32>
    %div3A_109 = arith.divf %broadcast_in_dim3A_106, %div3A_108 : vector<256x1xf32>
    %slice3A_110 = vector.extract_strided_slice %slice3A_99 {offsets = [0, 0], sizes = [256, 32], strides = [1, 1]} : vector<256x64xf32> to vector<256x32xf32>
    %slice3A_111 = vector.extract_strided_slice %slice3A_99 {offsets = [0, 32], sizes = [256, 32], strides = [1, 1]} : vector<256x64xf32> to vector<256x32xf32>
    %mul3A_112 = arith.mulf %slice3A_110, %get3A_30 : vector<256x32xf32>
    %mul3A_113 = arith.mulf %slice3A_111, %get3A_33 : vector<256x32xf32>
    %sub3A_114 = arith.subf %mul3A_112, %mul3A_113 : vector<256x32xf32>
    %mul3A_115 = arith.mulf %slice3A_111, %get3A_30 : vector<256x32xf32>
    %mul3A_116 = arith.mulf %slice3A_110, %get3A_33 : vector<256x32xf32>
    %add3A_117 = arith.addf %mul3A_115, %mul3A_116 : vector<256x32xf32>
    %concatenate3A_118 = tpu.concatenate %sub3A_114, %add3A_117 in 1 : vector<256x32xf32>, vector<256x32xf32> -> vector<256x64xf32>
    %add3A_119 = arith.constant 9.99999997E-7 : f32
    %add3A_120 = vector.broadcast %add3A_119 : f32 to vector<256x1xf32>
    %add3A_121 = arith.addf %div3A_109, %add3A_120 : vector<256x1xf32>
    %rsqrt3A_122 = math.rsqrt %add3A_121 : vector<256x1xf32>
    %mul3A_123 = vector.broadcast %rsqrt3A_122 : vector<256x1xf32> to vector<256x64xf32>
    %mul3A_124 = arith.mulf %concatenate3A_118, %mul3A_123 : vector<256x64xf32>
    %mul3A_125 = vector.broadcast %get3A_102 : vector<1x64xf32> to vector<256x64xf32>
    %mul3A_126 = arith.mulf %mul3A_124, %mul3A_125 : vector<256x64xf32>
    %convert_element_type3A_127 = arith.truncf %mul3A_126 : vector<256x64xf32> to vector<256x64xbf16>
    %swap3A_128 = arith.constant 2 : index
    %swap3A_129 = arith.constant 0 : index
    %swap3A_130 = arith.constant 0 : index
    %swap3A_131 = vector.load %arg10[%swap3A_128, %swap3A_129, %swap3A_130] : memref<12x256x64xbf16, #tpu.memory_space<vmem>>, vector<1x256x64xbf16>
    %swap3A_132 = vector.shape_cast %swap3A_131 : vector<1x256x64xbf16> to vector<256x64xbf16>
    %swap3A_133 = vector.shape_cast %convert_element_type3A_127 : vector<256x64xbf16> to vector<1x256x64xbf16>
    tpu.vector_store %arg10[%swap3A_128, %swap3A_129, %swap3A_130], %swap3A_133 {strides = array<i32>} : memref<12x256x64xbf16, #tpu.memory_space<vmem>>, vector<1x256x64xbf16>,
    %slice3A_134 = vector.extract_strided_slice %dot_general3A_17 {offsets = [0, 192], sizes = [256, 64], strides = [1, 1]} : vector<256x768xf32> to vector<256x64xf32>
    %get3A_135 = arith.constant 0 : index
    %get3A_136 = arith.constant 0 : index
    %get3A_137 = vector.load %arg6[%get3A_135, %get3A_136] : memref<1x64xf32, #tpu.memory_space<vmem>>, vector<1x64xf32>
    %mul3A_138 = arith.mulf %slice3A_134, %slice3A_134 : vector<256x64xf32>
    %reduce_sum3A_139 = arith.constant dense<0.000000e+00> : vector<256xf32>
    %reduce_sum3A_140 = vector.multi_reduction <add>, %mul3A_138, %reduce_sum3A_139 [1] : vector<256x64xf32> to vector<256xf32>
    %broadcast_in_dim3A_141 = vector.shape_cast %reduce_sum3A_140 : vector<256xf32> to vector<256x1xf32>
    %div3A_142 = arith.constant 6.400000e+01 : f32
    %div3A_143 = vector.broadcast %div3A_142 : f32 to vector<256x1xf32>
    %div3A_144 = arith.divf %broadcast_in_dim3A_141, %div3A_143 : vector<256x1xf32>
    %slice3A_145 = vector.extract_strided_slice %slice3A_134 {offsets = [0, 0], sizes = [256, 32], strides = [1, 1]} : vector<256x64xf32> to vector<256x32xf32>
    %slice3A_146 = vector.extract_strided_slice %slice3A_134 {offsets = [0, 32], sizes = [256, 32], strides = [1, 1]} : vector<256x64xf32> to vector<256x32xf32>
    %mul3A_147 = arith.mulf %slice3A_145, %get3A_30 : vector<256x32xf32>
    %mul3A_148 = arith.mulf %slice3A_146, %get3A_33 : vector<256x32xf32>
    %sub3A_149 = arith.subf %mul3A_147, %mul3A_148 : vector<256x32xf32>
    %mul3A_150 = arith.mulf %slice3A_146, %get3A_30 : vector<256x32xf32>
    %mul3A_151 = arith.mulf %slice3A_145, %get3A_33 : vector<256x32xf32>
    %add3A_152 = arith.addf %mul3A_150, %mul3A_151 : vector<256x32xf32>
    %concatenate3A_153 = tpu.concatenate %sub3A_149, %add3A_152 in 1 : vector<256x32xf32>, vector<256x32xf32> -> vector<256x64xf32>
    %add3A_154 = arith.constant 9.99999997E-7 : f32
    %add3A_155 = vector.broadcast %add3A_154 : f32 to vector<256x1xf32>
    %add3A_156 = arith.addf %div3A_144, %add3A_155 : vector<256x1xf32>
    %rsqrt3A_157 = math.rsqrt %add3A_156 : vector<256x1xf32>
    %mul3A_158 = vector.broadcast %rsqrt3A_157 : vector<256x1xf32> to vector<256x64xf32>
    %mul3A_159 = arith.mulf %concatenate3A_153, %mul3A_158 : vector<256x64xf32>
    %mul3A_160 = vector.broadcast %get3A_137 : vector<1x64xf32> to vector<256x64xf32>
    %mul3A_161 = arith.mulf %mul3A_159, %mul3A_160 : vector<256x64xf32>
    %convert_element_type3A_162 = arith.truncf %mul3A_161 : vector<256x64xf32> to vector<256x64xbf16>
    %swap3A_163 = arith.constant 3 : index
    %swap3A_164 = arith.constant 0 : index
    %swap3A_165 = arith.constant 0 : index
    %swap3A_166 = vector.load %arg10[%swap3A_163, %swap3A_164, %swap3A_165] : memref<12x256x64xbf16, #tpu.memory_space<vmem>>, vector<1x256x64xbf16>
    %swap3A_167 = vector.shape_cast %swap3A_166 : vector<1x256x64xbf16> to vector<256x64xbf16>
    %swap3A_168 = vector.shape_cast %convert_element_type3A_162 : vector<256x64xbf16> to vector<1x256x64xbf16>
    tpu.vector_store %arg10[%swap3A_163, %swap3A_164, %swap3A_165], %swap3A_168 {strides = array<i32>} : memref<12x256x64xbf16, #tpu.memory_space<vmem>>, vector<1x256x64xbf16>,
    %slice3A_169 = vector.extract_strided_slice %dot_general3A_17 {offsets = [0, 256], sizes = [256, 64], strides = [1, 1]} : vector<256x768xf32> to vector<256x64xf32>
    %get3A_170 = arith.constant 0 : index
    %get3A_171 = arith.constant 0 : index
    %get3A_172 = vector.load %arg6[%get3A_170, %get3A_171] : memref<1x64xf32, #tpu.memory_space<vmem>>, vector<1x64xf32>
    %mul3A_173 = arith.mulf %slice3A_169, %slice3A_169 : vector<256x64xf32>
    %reduce_sum3A_174 = arith.constant dense<0.000000e+00> : vector<256xf32>
    %reduce_sum3A_175 = vector.multi_reduction <add>, %mul3A_173, %reduce_sum3A_174 [1] : vector<256x64xf32> to vector<256xf32>
    %broadcast_in_dim3A_176 = vector.shape_cast %reduce_sum3A_175 : vector<256xf32> to vector<256x1xf32>
    %div3A_177 = arith.constant 6.400000e+01 : f32
    %div3A_178 = vector.broadcast %div3A_177 : f32 to vector<256x1xf32>
    %div3A_179 = arith.divf %broadcast_in_dim3A_176, %div3A_178 : vector<256x1xf32>
    %slice3A_180 = vector.extract_strided_slice %slice3A_169 {offsets = [0, 0], sizes = [256, 32], strides = [1, 1]} : vector<256x64xf32> to vector<256x32xf32>
    %slice3A_181 = vector.extract_strided_slice %slice3A_169 {offsets = [0, 32], sizes = [256, 32], strides = [1, 1]} : vector<256x64xf32> to vector<256x32xf32>
    %mul3A_182 = arith.mulf %slice3A_180, %get3A_30 : vector<256x32xf32>
    %mul3A_183 = arith.mulf %slice3A_181, %get3A_33 : vector<256x32xf32>
    %sub3A_184 = arith.subf %mul3A_182, %mul3A_183 : vector<256x32xf32>
    %mul3A_185 = arith.mulf %slice3A_181, %get3A_30 : vector<256x32xf32>
    %mul3A_186 = arith.mulf %slice3A_180, %get3A_33 : vector<256x32xf32>
    %add3A_187 = arith.addf %mul3A_185, %mul3A_186 : vector<256x32xf32>
    %concatenate3A_188 = tpu.concatenate %sub3A_184, %add3A_187 in 1 : vector<256x32xf32>, vector<256x32xf32> -> vector<256x64xf32>
    %add3A_189 = arith.constant 9.99999997E-7 : f32
    %add3A_190 = vector.broadcast %add3A_189 : f32 to vector<256x1xf32>
    %add3A_191 = arith.addf %div3A_179, %add3A_190 : vector<256x1xf32>
    %rsqrt3A_192 = math.rsqrt %add3A_191 : vector<256x1xf32>
    %mul3A_193 = vector.broadcast %rsqrt3A_192 : vector<256x1xf32> to vector<256x64xf32>
    %mul3A_194 = arith.mulf %concatenate3A_188, %mul3A_193 : vector<256x64xf32>
    %mul3A_195 = vector.broadcast %get3A_172 : vector<1x64xf32> to vector<256x64xf32>
    %mul3A_196 = arith.mulf %mul3A_194, %mul3A_195 : vector<256x64xf32>
    %convert_element_type3A_197 = arith.truncf %mul3A_196 : vector<256x64xf32> to vector<256x64xbf16>
    %swap3A_198 = arith.constant 4 : index
    %swap3A_199 = arith.constant 0 : index
    %swap3A_200 = arith.constant 0 : index
    %swap3A_201 = vector.load %arg10[%swap3A_198, %swap3A_199, %swap3A_200] : memref<12x256x64xbf16, #tpu.memory_space<vmem>>, vector<1x256x64xbf16>
    %swap3A_202 = vector.shape_cast %swap3A_201 : vector<1x256x64xbf16> to vector<256x64xbf16>
    %swap3A_203 = vector.shape_cast %convert_element_type3A_197 : vector<256x64xbf16> to vector<1x256x64xbf16>
    tpu.vector_store %arg10[%swap3A_198, %swap3A_199, %swap3A_200], %swap3A_203 {strides = array<i32>} : memref<12x256x64xbf16, #tpu.memory_space<vmem>>, vector<1x256x64xbf16>,
    %slice3A_204 = vector.extract_strided_slice %dot_general3A_17 {offsets = [0, 320], sizes = [256, 64], strides = [1, 1]} : vector<256x768xf32> to vector<256x64xf32>
    %get3A_205 = arith.constant 0 : index
    %get3A_206 = arith.constant 0 : index
    %get3A_207 = vector.load %arg6[%get3A_205, %get3A_206] : memref<1x64xf32, #tpu.memory_space<vmem>>, vector<1x64xf32>
    %mul3A_208 = arith.mulf %slice3A_204, %slice3A_204 : vector<256x64xf32>
    %reduce_sum3A_209 = arith.constant dense<0.000000e+00> : vector<256xf32>
    %reduce_sum3A_210 = vector.multi_reduction <add>, %mul3A_208, %reduce_sum3A_209 [1] : vector<256x64xf32> to vector<256xf32>
    %broadcast_in_dim3A_211 = vector.shape_cast %reduce_sum3A_210 : vector<256xf32> to vector<256x1xf32>
    %div3A_212 = arith.constant 6.400000e+01 : f32
    %div3A_213 = vector.broadcast %div3A_212 : f32 to vector<256x1xf32>
    %div3A_214 = arith.divf %broadcast_in_dim3A_211, %div3A_213 : vector<256x1xf32>
    %slice3A_215 = vector.extract_strided_slice %slice3A_204 {offsets = [0, 0], sizes = [256, 32], strides = [1, 1]} : vector<256x64xf32> to vector<256x32xf32>
    %slice3A_216 = vector.extract_strided_slice %slice3A_204 {offsets = [0, 32], sizes = [256, 32], strides = [1, 1]} : vector<256x64xf32> to vector<256x32xf32>
    %mul3A_217 = arith.mulf %slice3A_215, %get3A_30 : vector<256x32xf32>
    %mul3A_218 = arith.mulf %slice3A_216, %get3A_33 : vector<256x32xf32>
    %sub3A_219 = arith.subf %mul3A_217, %mul3A_218 : vector<256x32xf32>
    %mul3A_220 = arith.mulf %slice3A_216, %get3A_30 : vector<256x32xf32>
    %mul3A_221 = arith.mulf %slice3A_215, %get3A_33 : vector<256x32xf32>
    %add3A_222 = arith.addf %mul3A_220, %mul3A_221 : vector<256x32xf32>
    %concatenate3A_223 = tpu.concatenate %sub3A_219, %add3A_222 in 1 : vector<256x32xf32>, vector<256x32xf32> -> vector<256x64xf32>
    %add3A_224 = arith.constant 9.99999997E-7 : f32
    %add3A_225 = vector.broadcast %add3A_224 : f32 to vector<256x1xf32>
    %add3A_226 = arith.addf %div3A_214, %add3A_225 : vector<256x1xf32>
    %rsqrt3A_227 = math.rsqrt %add3A_226 : vector<256x1xf32>
    %mul3A_228 = vector.broadcast %rsqrt3A_227 : vector<256x1xf32> to vector<256x64xf32>
    %mul3A_229 = arith.mulf %concatenate3A_223, %mul3A_228 : vector<256x64xf32>
    %mul3A_230 = vector.broadcast %get3A_207 : vector<1x64xf32> to vector<256x64xf32>
    %mul3A_231 = arith.mulf %mul3A_229, %mul3A_230 : vector<256x64xf32>
    %convert_element_type3A_232 = arith.truncf %mul3A_231 : vector<256x64xf32> to vector<256x64xbf16>
    %swap3A_233 = arith.constant 5 : index
    %swap3A_234 = arith.constant 0 : index
    %swap3A_235 = arith.constant 0 : index
    %swap3A_236 = vector.load %arg10[%swap3A_233, %swap3A_234, %swap3A_235] : memref<12x256x64xbf16, #tpu.memory_space<vmem>>, vector<1x256x64xbf16>
    %swap3A_237 = vector.shape_cast %swap3A_236 : vector<1x256x64xbf16> to vector<256x64xbf16>
    %swap3A_238 = vector.shape_cast %convert_element_type3A_232 : vector<256x64xbf16> to vector<1x256x64xbf16>
    tpu.vector_store %arg10[%swap3A_233, %swap3A_234, %swap3A_235], %swap3A_238 {strides = array<i32>} : memref<12x256x64xbf16, #tpu.memory_space<vmem>>, vector<1x256x64xbf16>,
    %slice3A_239 = vector.extract_strided_slice %dot_general3A_17 {offsets = [0, 384], sizes = [256, 64], strides = [1, 1]} : vector<256x768xf32> to vector<256x64xf32>
    %get3A_240 = arith.constant 0 : index
    %get3A_241 = arith.constant 0 : index
    %get3A_242 = vector.load %arg6[%get3A_240, %get3A_241] : memref<1x64xf32, #tpu.memory_space<vmem>>, vector<1x64xf32>
    %mul3A_243 = arith.mulf %slice3A_239, %slice3A_239 : vector<256x64xf32>
    %reduce_sum3A_244 = arith.constant dense<0.000000e+00> : vector<256xf32>
    %reduce_sum3A_245 = vector.multi_reduction <add>, %mul3A_243, %reduce_sum3A_244 [1] : vector<256x64xf32> to vector<256xf32>
    %broadcast_in_dim3A_246 = vector.shape_cast %reduce_sum3A_245 : vector<256xf32> to vector<256x1xf32>
    %div3A_247 = arith.constant 6.400000e+01 : f32
    %div3A_248 = vector.broadcast %div3A_247 : f32 to vector<256x1xf32>
    %div3A_249 = arith.divf %broadcast_in_dim3A_246, %div3A_248 : vector<256x1xf32>
    %slice3A_250 = vector.extract_strided_slice %slice3A_239 {offsets = [0, 0], sizes = [256, 32], strides = [1, 1]} : vector<256x64xf32> to vector<256x32xf32>
    %slice3A_251 = vector.extract_strided_slice %slice3A_239 {offsets = [0, 32], sizes = [256, 32], strides = [1, 1]} : vector<256x64xf32> to vector<256x32xf32>
    %mul3A_252 = arith.mulf %slice3A_250, %get3A_30 : vector<256x32xf32>
    %mul3A_253 = arith.mulf %slice3A_251, %get3A_33 : vector<256x32xf32>
    %sub3A_254 = arith.subf %mul3A_252, %mul3A_253 : vector<256x32xf32>
    %mul3A_255 = arith.mulf %slice3A_251, %get3A_30 : vector<256x32xf32>
    %mul3A_256 = arith.mulf %slice3A_250, %get3A_33 : vector<256x32xf32>
    %add3A_257 = arith.addf %mul3A_255, %mul3A_256 : vector<256x32xf32>
    %concatenate3A_258 = tpu.concatenate %sub3A_254, %add3A_257 in 1 : vector<256x32xf32>, vector<256x32xf32> -> vector<256x64xf32>
    %add3A_259 = arith.constant 9.99999997E-7 : f32
    %add3A_260 = vector.broadcast %add3A_259 : f32 to vector<256x1xf32>
    %add3A_261 = arith.addf %div3A_249, %add3A_260 : vector<256x1xf32>
    %rsqrt3A_262 = math.rsqrt %add3A_261 : vector<256x1xf32>
    %mul3A_263 = vector.broadcast %rsqrt3A_262 : vector<256x1xf32> to vector<256x64xf32>
    %mul3A_264 = arith.mulf %concatenate3A_258, %mul3A_263 : vector<256x64xf32>
    %mul3A_265 = vector.broadcast %get3A_242 : vector<1x64xf32> to vector<256x64xf32>
    %mul3A_266 = arith.mulf %mul3A_264, %mul3A_265 : vector<256x64xf32>
    %convert_element_type3A_267 = arith.truncf %mul3A_266 : vector<256x64xf32> to vector<256x64xbf16>
    %swap3A_268 = arith.constant 6 : index
    %swap3A_269 = arith.constant 0 : index
    %swap3A_270 = arith.constant 0 : index
    %swap3A_271 = vector.load %arg10[%swap3A_268, %swap3A_269, %swap3A_270] : memref<12x256x64xbf16, #tpu.memory_space<vmem>>, vector<1x256x64xbf16>
    %swap3A_272 = vector.shape_cast %swap3A_271 : vector<1x256x64xbf16> to vector<256x64xbf16>
    %swap3A_273 = vector.shape_cast %convert_element_type3A_267 : vector<256x64xbf16> to vector<1x256x64xbf16>
    tpu.vector_store %arg10[%swap3A_268, %swap3A_269, %swap3A_270], %swap3A_273 {strides = array<i32>} : memref<12x256x64xbf16, #tpu.memory_space<vmem>>, vector<1x256x64xbf16>,
    %slice3A_274 = vector.extract_strided_slice %dot_general3A_17 {offsets = [0, 448], sizes = [256, 64], strides = [1, 1]} : vector<256x768xf32> to vector<256x64xf32>
    %get3A_275 = arith.constant 0 : index
    %get3A_276 = arith.constant 0 : index
    %get3A_277 = vector.load %arg6[%get3A_275, %get3A_276] : memref<1x64xf32, #tpu.memory_space<vmem>>, vector<1x64xf32>
    %mul3A_278 = arith.mulf %slice3A_274, %slice3A_274 : vector<256x64xf32>
    %reduce_sum3A_279 = arith.constant dense<0.000000e+00> : vector<256xf32>
    %reduce_sum3A_280 = vector.multi_reduction <add>, %mul3A_278, %reduce_sum3A_279 [1] : vector<256x64xf32> to vector<256xf32>
    %broadcast_in_dim3A_281 = vector.shape_cast %reduce_sum3A_280 : vector<256xf32> to vector<256x1xf32>
    %div3A_282 = arith.constant 6.400000e+01 : f32
    %div3A_283 = vector.broadcast %div3A_282 : f32 to vector<256x1xf32>
    %div3A_284 = arith.divf %broadcast_in_dim3A_281, %div3A_283 : vector<256x1xf32>
    %slice3A_285 = vector.extract_strided_slice %slice3A_274 {offsets = [0, 0], sizes = [256, 32], strides = [1, 1]} : vector<256x64xf32> to vector<256x32xf32>
    %slice3A_286 = vector.extract_strided_slice %slice3A_274 {offsets = [0, 32], sizes = [256, 32], strides = [1, 1]} : vector<256x64xf32> to vector<256x32xf32>
    %mul3A_287 = arith.mulf %slice3A_285, %get3A_30 : vector<256x32xf32>
    %mul3A_288 = arith.mulf %slice3A_286, %get3A_33 : vector<256x32xf32>
    %sub3A_289 = arith.subf %mul3A_287, %mul3A_288 : vector<256x32xf32>
    %mul3A_290 = arith.mulf %slice3A_286, %get3A_30 : vector<256x32xf32>
    %mul3A_291 = arith.mulf %slice3A_285, %get3A_33 : vector<256x32xf32>
    %add3A_292 = arith.addf %mul3A_290, %mul3A_291 : vector<256x32xf32>
    %concatenate3A_293 = tpu.concatenate %sub3A_289, %add3A_292 in 1 : vector<256x32xf32>, vector<256x32xf32> -> vector<256x64xf32>
    %add3A_294 = arith.constant 9.99999997E-7 : f32
    %add3A_295 = vector.broadcast %add3A_294 : f32 to vector<256x1xf32>
    %add3A_296 = arith.addf %div3A_284, %add3A_295 : vector<256x1xf32>
    %rsqrt3A_297 = math.rsqrt %add3A_296 : vector<256x1xf32>
    %mul3A_298 = vector.broadcast %rsqrt3A_297 : vector<256x1xf32> to vector<256x64xf32>
    %mul3A_299 = arith.mulf %concatenate3A_293, %mul3A_298 : vector<256x64xf32>
    %mul3A_300 = vector.broadcast %get3A_277 : vector<1x64xf32> to vector<256x64xf32>
    %mul3A_301 = arith.mulf %mul3A_299, %mul3A_300 : vector<256x64xf32>
    %convert_element_type3A_302 = arith.truncf %mul3A_301 : vector<256x64xf32> to vector<256x64xbf16>
    %swap3A_303 = arith.constant 7 : index
    %swap3A_304 = arith.constant 0 : index
    %swap3A_305 = arith.constant 0 : index
    %swap3A_306 = vector.load %arg10[%swap3A_303, %swap3A_304, %swap3A_305] : memref<12x256x64xbf16, #tpu.memory_space<vmem>>, vector<1x256x64xbf16>
    %swap3A_307 = vector.shape_cast %swap3A_306 : vector<1x256x64xbf16> to vector<256x64xbf16>
    %swap3A_308 = vector.shape_cast %convert_element_type3A_302 : vector<256x64xbf16> to vector<1x256x64xbf16>
    tpu.vector_store %arg10[%swap3A_303, %swap3A_304, %swap3A_305], %swap3A_308 {strides = array<i32>} : memref<12x256x64xbf16, #tpu.memory_space<vmem>>, vector<1x256x64xbf16>,
    %slice3A_309 = vector.extract_strided_slice %dot_general3A_17 {offsets = [0, 512], sizes = [256, 64], strides = [1, 1]} : vector<256x768xf32> to vector<256x64xf32>
    %get3A_310 = arith.constant 0 : index
    %get3A_311 = arith.constant 0 : index
    %get3A_312 = vector.load %arg6[%get3A_310, %get3A_311] : memref<1x64xf32, #tpu.memory_space<vmem>>, vector<1x64xf32>
    %mul3A_313 = arith.mulf %slice3A_309, %slice3A_309 : vector<256x64xf32>
    %reduce_sum3A_314 = arith.constant dense<0.000000e+00> : vector<256xf32>
    %reduce_sum3A_315 = vector.multi_reduction <add>, %mul3A_313, %reduce_sum3A_314 [1] : vector<256x64xf32> to vector<256xf32>
    %broadcast_in_dim3A_316 = vector.shape_cast %reduce_sum3A_315 : vector<256xf32> to vector<256x1xf32>
    %div3A_317 = arith.constant 6.400000e+01 : f32
    %div3A_318 = vector.broadcast %div3A_317 : f32 to vector<256x1xf32>
    %div3A_319 = arith.divf %broadcast_in_dim3A_316, %div3A_318 : vector<256x1xf32>
    %slice3A_320 = vector.extract_strided_slice %slice3A_309 {offsets = [0, 0], sizes = [256, 32], strides = [1, 1]} : vector<256x64xf32> to vector<256x32xf32>
    %slice3A_321 = vector.extract_strided_slice %slice3A_309 {offsets = [0, 32], sizes = [256, 32], strides = [1, 1]} : vector<256x64xf32> to vector<256x32xf32>
    %mul3A_322 = arith.mulf %slice3A_320, %get3A_30 : vector<256x32xf32>
    %mul3A_323 = arith.mulf %slice3A_321, %get3A_33 : vector<256x32xf32>
    %sub3A_324 = arith.subf %mul3A_322, %mul3A_323 : vector<256x32xf32>
    %mul3A_325 = arith.mulf %slice3A_321, %get3A_30 : vector<256x32xf32>
    %mul3A_326 = arith.mulf %slice3A_320, %get3A_33 : vector<256x32xf32>
    %add3A_327 = arith.addf %mul3A_325, %mul3A_326 : vector<256x32xf32>
    %concatenate3A_328 = tpu.concatenate %sub3A_324, %add3A_327 in 1 : vector<256x32xf32>, vector<256x32xf32> -> vector<256x64xf32>
    %add3A_329 = arith.constant 9.99999997E-7 : f32
    %add3A_330 = vector.broadcast %add3A_329 : f32 to vector<256x1xf32>
    %add3A_331 = arith.addf %div3A_319, %add3A_330 : vector<256x1xf32>
    %rsqrt3A_332 = math.rsqrt %add3A_331 : vector<256x1xf32>
    %mul3A_333 = vector.broadcast %rsqrt3A_332 : vector<256x1xf32> to vector<256x64xf32>
    %mul3A_334 = arith.mulf %concatenate3A_328, %mul3A_333 : vector<256x64xf32>
    %mul3A_335 = vector.broadcast %get3A_312 : vector<1x64xf32> to vector<256x64xf32>
    %mul3A_336 = arith.mulf %mul3A_334, %mul3A_335 : vector<256x64xf32>
    %convert_element_type3A_337 = arith.truncf %mul3A_336 : vector<256x64xf32> to vector<256x64xbf16>
    %swap3A_338 = arith.constant 8 : index
    %swap3A_339 = arith.constant 0 : index
    %swap3A_340 = arith.constant 0 : index
    %swap3A_341 = vector.load %arg10[%swap3A_338, %swap3A_339, %swap3A_340] : memref<12x256x64xbf16, #tpu.memory_space<vmem>>, vector<1x256x64xbf16>
    %swap3A_342 = vector.shape_cast %swap3A_341 : vector<1x256x64xbf16> to vector<256x64xbf16>
    %swap3A_343 = vector.shape_cast %convert_element_type3A_337 : vector<256x64xbf16> to vector<1x256x64xbf16>
    tpu.vector_store %arg10[%swap3A_338, %swap3A_339, %swap3A_340], %swap3A_343 {strides = array<i32>} : memref<12x256x64xbf16, #tpu.memory_space<vmem>>, vector<1x256x64xbf16>,
    %slice3A_344 = vector.extract_strided_slice %dot_general3A_17 {offsets = [0, 576], sizes = [256, 64], strides = [1, 1]} : vector<256x768xf32> to vector<256x64xf32>
    %get3A_345 = arith.constant 0 : index
    %get3A_346 = arith.constant 0 : index
    %get3A_347 = vector.load %arg6[%get3A_345, %get3A_346] : memref<1x64xf32, #tpu.memory_space<vmem>>, vector<1x64xf32>
    %mul3A_348 = arith.mulf %slice3A_344, %slice3A_344 : vector<256x64xf32>
    %reduce_sum3A_349 = arith.constant dense<0.000000e+00> : vector<256xf32>
    %reduce_sum3A_350 = vector.multi_reduction <add>, %mul3A_348, %reduce_sum3A_349 [1] : vector<256x64xf32> to vector<256xf32>
    %broadcast_in_dim3A_351 = vector.shape_cast %reduce_sum3A_350 : vector<256xf32> to vector<256x1xf32>
    %div3A_352 = arith.constant 6.400000e+01 : f32
    %div3A_353 = vector.broadcast %div3A_352 : f32 to vector<256x1xf32>
    %div3A_354 = arith.divf %broadcast_in_dim3A_351, %div3A_353 : vector<256x1xf32>
    %slice3A_355 = vector.extract_strided_slice %slice3A_344 {offsets = [0, 0], sizes = [256, 32], strides = [1, 1]} : vector<256x64xf32> to vector<256x32xf32>
    %slice3A_356 = vector.extract_strided_slice %slice3A_344 {offsets = [0, 32], sizes = [256, 32], strides = [1, 1]} : vector<256x64xf32> to vector<256x32xf32>
    %mul3A_357 = arith.mulf %slice3A_355, %get3A_30 : vector<256x32xf32>
    %mul3A_358 = arith.mulf %slice3A_356, %get3A_33 : vector<256x32xf32>
    %sub3A_359 = arith.subf %mul3A_357, %mul3A_358 : vector<256x32xf32>
    %mul3A_360 = arith.mulf %slice3A_356, %get3A_30 : vector<256x32xf32>
    %mul3A_361 = arith.mulf %slice3A_355, %get3A_33 : vector<256x32xf32>
    %add3A_362 = arith.addf %mul3A_360, %mul3A_361 : vector<256x32xf32>
    %concatenate3A_363 = tpu.concatenate %sub3A_359, %add3A_362 in 1 : vector<256x32xf32>, vector<256x32xf32> -> vector<256x64xf32>
    %add3A_364 = arith.constant 9.99999997E-7 : f32
    %add3A_365 = vector.broadcast %add3A_364 : f32 to vector<256x1xf32>
    %add3A_366 = arith.addf %div3A_354, %add3A_365 : vector<256x1xf32>
    %rsqrt3A_367 = math.rsqrt %add3A_366 : vector<256x1xf32>
    %mul3A_368 = vector.broadcast %rsqrt3A_367 : vector<256x1xf32> to vector<256x64xf32>
    %mul3A_369 = arith.mulf %concatenate3A_363, %mul3A_368 : vector<256x64xf32>
    %mul3A_370 = vector.broadcast %get3A_347 : vector<1x64xf32> to vector<256x64xf32>
    %mul3A_371 = arith.mulf %mul3A_369, %mul3A_370 : vector<256x64xf32>
    %convert_element_type3A_372 = arith.truncf %mul3A_371 : vector<256x64xf32> to vector<256x64xbf16>
    %swap3A_373 = arith.constant 9 : index
    %swap3A_374 = arith.constant 0 : index
    %swap3A_375 = arith.constant 0 : index
    %swap3A_376 = vector.load %arg10[%swap3A_373, %swap3A_374, %swap3A_375] : memref<12x256x64xbf16, #tpu.memory_space<vmem>>, vector<1x256x64xbf16>
    %swap3A_377 = vector.shape_cast %swap3A_376 : vector<1x256x64xbf16> to vector<256x64xbf16>
    %swap3A_378 = vector.shape_cast %convert_element_type3A_372 : vector<256x64xbf16> to vector<1x256x64xbf16>
    tpu.vector_store %arg10[%swap3A_373, %swap3A_374, %swap3A_375], %swap3A_378 {strides = array<i32>} : memref<12x256x64xbf16, #tpu.memory_space<vmem>>, vector<1x256x64xbf16>,
    %slice3A_379 = vector.extract_strided_slice %dot_general3A_17 {offsets = [0, 640], sizes = [256, 64], strides = [1, 1]} : vector<256x768xf32> to vector<256x64xf32>
    %get3A_380 = arith.constant 0 : index
    %get3A_381 = arith.constant 0 : index
    %get3A_382 = vector.load %arg6[%get3A_380, %get3A_381] : memref<1x64xf32, #tpu.memory_space<vmem>>, vector<1x64xf32>
    %mul3A_383 = arith.mulf %slice3A_379, %slice3A_379 : vector<256x64xf32>
    %reduce_sum3A_384 = arith.constant dense<0.000000e+00> : vector<256xf32>
    %reduce_sum3A_385 = vector.multi_reduction <add>, %mul3A_383, %reduce_sum3A_384 [1] : vector<256x64xf32> to vector<256xf32>
    %broadcast_in_dim3A_386 = vector.shape_cast %reduce_sum3A_385 : vector<256xf32> to vector<256x1xf32>
    %div3A_387 = arith.constant 6.400000e+01 : f32
    %div3A_388 = vector.broadcast %div3A_387 : f32 to vector<256x1xf32>
    %div3A_389 = arith.divf %broadcast_in_dim3A_386, %div3A_388 : vector<256x1xf32>
    %slice3A_390 = vector.extract_strided_slice %slice3A_379 {offsets = [0, 0], sizes = [256, 32], strides = [1, 1]} : vector<256x64xf32> to vector<256x32xf32>
    %slice3A_391 = vector.extract_strided_slice %slice3A_379 {offsets = [0, 32], sizes = [256, 32], strides = [1, 1]} : vector<256x64xf32> to vector<256x32xf32>
    %mul3A_392 = arith.mulf %slice3A_390, %get3A_30 : vector<256x32xf32>
    %mul3A_393 = arith.mulf %slice3A_391, %get3A_33 : vector<256x32xf32>
    %sub3A_394 = arith.subf %mul3A_392, %mul3A_393 : vector<256x32xf32>
    %mul3A_395 = arith.mulf %slice3A_391, %get3A_30 : vector<256x32xf32>
    %mul3A_396 = arith.mulf %slice3A_390, %get3A_33 : vector<256x32xf32>
    %add3A_397 = arith.addf %mul3A_395, %mul3A_396 : vector<256x32xf32>
    %concatenate3A_398 = tpu.concatenate %sub3A_394, %add3A_397 in 1 : vector<256x32xf32>, vector<256x32xf32> -> vector<256x64xf32>
    %add3A_399 = arith.constant 9.99999997E-7 : f32
    %add3A_400 = vector.broadcast %add3A_399 : f32 to vector<256x1xf32>
    %add3A_401 = arith.addf %div3A_389, %add3A_400 : vector<256x1xf32>
    %rsqrt3A_402 = math.rsqrt %add3A_401 : vector<256x1xf32>
    %mul3A_403 = vector.broadcast %rsqrt3A_402 : vector<256x1xf32> to vector<256x64xf32>
    %mul3A_404 = arith.mulf %concatenate3A_398, %mul3A_403 : vector<256x64xf32>
    %mul3A_405 = vector.broadcast %get3A_382 : vector<1x64xf32> to vector<256x64xf32>
    %mul3A_406 = arith.mulf %mul3A_404, %mul3A_405 : vector<256x64xf32>
    %convert_element_type3A_407 = arith.truncf %mul3A_406 : vector<256x64xf32> to vector<256x64xbf16>
    %swap3A_408 = arith.constant 10 : index
    %swap3A_409 = arith.constant 0 : index
    %swap3A_410 = arith.constant 0 : index
    %swap3A_411 = vector.load %arg10[%swap3A_408, %swap3A_409, %swap3A_410] : memref<12x256x64xbf16, #tpu.memory_space<vmem>>, vector<1x256x64xbf16>
    %swap3A_412 = vector.shape_cast %swap3A_411 : vector<1x256x64xbf16> to vector<256x64xbf16>
    %swap3A_413 = vector.shape_cast %convert_element_type3A_407 : vector<256x64xbf16> to vector<1x256x64xbf16>
    tpu.vector_store %arg10[%swap3A_408, %swap3A_409, %swap3A_410], %swap3A_413 {strides = array<i32>} : memref<12x256x64xbf16, #tpu.memory_space<vmem>>, vector<1x256x64xbf16>,
    %slice3A_414 = vector.extract_strided_slice %dot_general3A_17 {offsets = [0, 704], sizes = [256, 64], strides = [1, 1]} : vector<256x768xf32> to vector<256x64xf32>
    %get3A_415 = arith.constant 0 : index
    %get3A_416 = arith.constant 0 : index
    %get3A_417 = vector.load %arg6[%get3A_415, %get3A_416] : memref<1x64xf32, #tpu.memory_space<vmem>>, vector<1x64xf32>
    %mul3A_418 = arith.mulf %slice3A_414, %slice3A_414 : vector<256x64xf32>
    %reduce_sum3A_419 = arith.constant dense<0.000000e+00> : vector<256xf32>
    %reduce_sum3A_420 = vector.multi_reduction <add>, %mul3A_418, %reduce_sum3A_419 [1] : vector<256x64xf32> to vector<256xf32>
    %broadcast_in_dim3A_421 = vector.shape_cast %reduce_sum3A_420 : vector<256xf32> to vector<256x1xf32>
    %div3A_422 = arith.constant 6.400000e+01 : f32
    %div3A_423 = vector.broadcast %div3A_422 : f32 to vector<256x1xf32>
    %div3A_424 = arith.divf %broadcast_in_dim3A_421, %div3A_423 : vector<256x1xf32>
    %slice3A_425 = vector.extract_strided_slice %slice3A_414 {offsets = [0, 0], sizes = [256, 32], strides = [1, 1]} : vector<256x64xf32> to vector<256x32xf32>
    %slice3A_426 = vector.extract_strided_slice %slice3A_414 {offsets = [0, 32], sizes = [256, 32], strides = [1, 1]} : vector<256x64xf32> to vector<256x32xf32>
    %mul3A_427 = arith.mulf %slice3A_425, %get3A_30 : vector<256x32xf32>
    %mul3A_428 = arith.mulf %slice3A_426, %get3A_33 : vector<256x32xf32>
    %sub3A_429 = arith.subf %mul3A_427, %mul3A_428 : vector<256x32xf32>
    %mul3A_430 = arith.mulf %slice3A_426, %get3A_30 : vector<256x32xf32>
    %mul3A_431 = arith.mulf %slice3A_425, %get3A_33 : vector<256x32xf32>
    %add3A_432 = arith.addf %mul3A_430, %mul3A_431 : vector<256x32xf32>
    %concatenate3A_433 = tpu.concatenate %sub3A_429, %add3A_432 in 1 : vector<256x32xf32>, vector<256x32xf32> -> vector<256x64xf32>
    %add3A_434 = arith.constant 9.99999997E-7 : f32
    %add3A_435 = vector.broadcast %add3A_434 : f32 to vector<256x1xf32>
    %add3A_436 = arith.addf %div3A_424, %add3A_435 : vector<256x1xf32>
    %rsqrt3A_437 = math.rsqrt %add3A_436 : vector<256x1xf32>
    %mul3A_438 = vector.broadcast %rsqrt3A_437 : vector<256x1xf32> to vector<256x64xf32>
    %mul3A_439 = arith.mulf %concatenate3A_433, %mul3A_438 : vector<256x64xf32>
    %mul3A_440 = vector.broadcast %get3A_417 : vector<1x64xf32> to vector<256x64xf32>
    %mul3A_441 = arith.mulf %mul3A_439, %mul3A_440 : vector<256x64xf32>
    %convert_element_type3A_442 = arith.truncf %mul3A_441 : vector<256x64xf32> to vector<256x64xbf16>
    %swap3A_443 = arith.constant 11 : index
    %swap3A_444 = arith.constant 0 : index
    %swap3A_445 = arith.constant 0 : index
    %swap3A_446 = vector.load %arg10[%swap3A_443, %swap3A_444, %swap3A_445] : memref<12x256x64xbf16, #tpu.memory_space<vmem>>, vector<1x256x64xbf16>
    %swap3A_447 = vector.shape_cast %swap3A_446 : vector<1x256x64xbf16> to vector<256x64xbf16>
    %swap3A_448 = vector.shape_cast %convert_element_type3A_442 : vector<256x64xbf16> to vector<1x256x64xbf16>
    tpu.vector_store %arg10[%swap3A_443, %swap3A_444, %swap3A_445], %swap3A_448 {strides = array<i32>} : memref<12x256x64xbf16, #tpu.memory_space<vmem>>, vector<1x256x64xbf16>,
    %broadcast_in_dim3A_449 = arith.constant 1.000000e+00 : bf16
    %broadcast_in_dim3A_450 = vector.broadcast %broadcast_in_dim3A_449 : bf16 to vector<256x1xbf16>
    %broadcast_in_dim3A_451 = arith.constant 0.000000e+00 : bf16
    %broadcast_in_dim3A_452 = vector.broadcast %broadcast_in_dim3A_451 : bf16 to vector<256x63xbf16>
    %slice3A_453 = vector.extract_strided_slice %dot_general3A_22 {offsets = [0, 0], sizes = [256, 64], strides = [1, 1]} : vector<256x256xf32> to vector<256x64xf32>
    %get3A_454 = arith.constant 0 : index
    %get3A_455 = arith.constant 0 : index
    %get3A_456 = vector.load %arg7[%get3A_454, %get3A_455] : memref<1x64xf32, #tpu.memory_space<vmem>>, vector<1x64xf32>
    %mul3A_457 = arith.mulf %slice3A_453, %slice3A_453 : vector<256x64xf32>
    %reduce_sum3A_458 = arith.constant dense<0.000000e+00> : vector<256xf32>
    %reduce_sum3A_459 = vector.multi_reduction <add>, %mul3A_457, %reduce_sum3A_458 [1] : vector<256x64xf32> to vector<256xf32>
    %broadcast_in_dim3A_460 = vector.shape_cast %reduce_sum3A_459 : vector<256xf32> to vector<256x1xf32>
    %div3A_461 = arith.constant 6.400000e+01 : f32
    %div3A_462 = vector.broadcast %div3A_461 : f32 to vector<256x1xf32>
    %div3A_463 = arith.divf %broadcast_in_dim3A_460, %div3A_462 : vector<256x1xf32>
    %slice3A_464 = vector.extract_strided_slice %slice3A_453 {offsets = [0, 0], sizes = [256, 32], strides = [1, 1]} : vector<256x64xf32> to vector<256x32xf32>
    %slice3A_465 = vector.extract_strided_slice %slice3A_453 {offsets = [0, 32], sizes = [256, 32], strides = [1, 1]} : vector<256x64xf32> to vector<256x32xf32>
    %mul3A_466 = arith.mulf %slice3A_464, %get3A_30 : vector<256x32xf32>
    %mul3A_467 = arith.mulf %slice3A_465, %get3A_33 : vector<256x32xf32>
    %sub3A_468 = arith.subf %mul3A_466, %mul3A_467 : vector<256x32xf32>
    %mul3A_469 = arith.mulf %slice3A_465, %get3A_30 : vector<256x32xf32>
    %mul3A_470 = arith.mulf %slice3A_464, %get3A_33 : vector<256x32xf32>
    %add3A_471 = arith.addf %mul3A_469, %mul3A_470 : vector<256x32xf32>
    %concatenate3A_472 = tpu.concatenate %sub3A_468, %add3A_471 in 1 : vector<256x32xf32>, vector<256x32xf32> -> vector<256x64xf32>
    %add3A_473 = arith.constant 9.99999997E-7 : f32
    %add3A_474 = vector.broadcast %add3A_473 : f32 to vector<256x1xf32>
    %add3A_475 = arith.addf %div3A_463, %add3A_474 : vector<256x1xf32>
    %rsqrt3A_476 = math.rsqrt %add3A_475 : vector<256x1xf32>
    %mul3A_477 = vector.broadcast %rsqrt3A_476 : vector<256x1xf32> to vector<256x64xf32>
    %mul3A_478 = arith.mulf %concatenate3A_472, %mul3A_477 : vector<256x64xf32>
    %mul3A_479 = vector.broadcast %get3A_456 : vector<1x64xf32> to vector<256x64xf32>
    %mul3A_480 = arith.mulf %mul3A_478, %mul3A_479 : vector<256x64xf32>
    %convert_element_type3A_481 = arith.truncf %mul3A_480 : vector<256x64xf32> to vector<256x64xbf16>
    %swap3A_482 = arith.constant 0 : index
    %swap3A_483 = arith.constant 0 : index
    %swap3A_484 = arith.constant 0 : index
    %swap3A_485 = vector.load %arg11[%swap3A_482, %swap3A_483, %swap3A_484] : memref<4x256x64xbf16, #tpu.memory_space<vmem>>, vector<1x256x64xbf16>
    %swap3A_486 = vector.shape_cast %swap3A_485 : vector<1x256x64xbf16> to vector<256x64xbf16>
    %swap3A_487 = vector.shape_cast %convert_element_type3A_481 : vector<256x64xbf16> to vector<1x256x64xbf16>
    tpu.vector_store %arg11[%swap3A_482, %swap3A_483, %swap3A_484], %swap3A_487 {strides = array<i32>} : memref<4x256x64xbf16, #tpu.memory_space<vmem>>, vector<1x256x64xbf16>,
    %slice3A_488 = vector.extract_strided_slice %dot_general3A_27 {offsets = [0, 0], sizes = [256, 64], strides = [1, 1]} : vector<256x256xf32> to vector<256x64xf32>
    %convert_element_type3A_489 = arith.truncf %slice3A_488 : vector<256x64xf32> to vector<256x64xbf16>
    %concatenate3A_490 = tpu.concatenate %convert_element_type3A_489, %broadcast_in_dim3A_450, %broadcast_in_dim3A_452 in 1 : vector<256x64xbf16>, vector<256x1xbf16>, vector<256x63xbf16> -> vector<256x128xbf16>
    %swap3A_491 = arith.constant 0 : index
    %swap3A_492 = arith.constant 0 : index
    %swap3A_493 = arith.constant 0 : index
    %swap3A_494 = vector.load %arg12[%swap3A_491, %swap3A_492, %swap3A_493] : memref<4x256x128xbf16, #tpu.memory_space<vmem>>, vector<1x256x128xbf16>
    %swap3A_495 = vector.shape_cast %swap3A_494 : vector<1x256x128xbf16> to vector<256x128xbf16>
    %swap3A_496 = vector.shape_cast %concatenate3A_490 : vector<256x128xbf16> to vector<1x256x128xbf16>
    tpu.vector_store %arg12[%swap3A_491, %swap3A_492, %swap3A_493], %swap3A_496 {strides = array<i32>} : memref<4x256x128xbf16, #tpu.memory_space<vmem>>, vector<1x256x128xbf16>,
    %slice3A_497 = vector.extract_strided_slice %dot_general3A_22 {offsets = [0, 64], sizes = [256, 64], strides = [1, 1]} : vector<256x256xf32> to vector<256x64xf32>
    %get3A_498 = arith.constant 0 : index
    %get3A_499 = arith.constant 0 : index
    %get3A_500 = vector.load %arg7[%get3A_498, %get3A_499] : memref<1x64xf32, #tpu.memory_space<vmem>>, vector<1x64xf32>
    %mul3A_501 = arith.mulf %slice3A_497, %slice3A_497 : vector<256x64xf32>
    %reduce_sum3A_502 = arith.constant dense<0.000000e+00> : vector<256xf32>
    %reduce_sum3A_503 = vector.multi_reduction <add>, %mul3A_501, %reduce_sum3A_502 [1] : vector<256x64xf32> to vector<256xf32>
    %broadcast_in_dim3A_504 = vector.shape_cast %reduce_sum3A_503 : vector<256xf32> to vector<256x1xf32>
    %div3A_505 = arith.constant 6.400000e+01 : f32
    %div3A_506 = vector.broadcast %div3A_505 : f32 to vector<256x1xf32>
    %div3A_507 = arith.divf %broadcast_in_dim3A_504, %div3A_506 : vector<256x1xf32>
    %slice3A_508 = vector.extract_strided_slice %slice3A_497 {offsets = [0, 0], sizes = [256, 32], strides = [1, 1]} : vector<256x64xf32> to vector<256x32xf32>
    %slice3A_509 = vector.extract_strided_slice %slice3A_497 {offsets = [0, 32], sizes = [256, 32], strides = [1, 1]} : vector<256x64xf32> to vector<256x32xf32>
    %mul3A_510 = arith.mulf %slice3A_508, %get3A_30 : vector<256x32xf32>
    %mul3A_511 = arith.mulf %slice3A_509, %get3A_33 : vector<256x32xf32>
    %sub3A_512 = arith.subf %mul3A_510, %mul3A_511 : vector<256x32xf32>
    %mul3A_513 = arith.mulf %slice3A_509, %get3A_30 : vector<256x32xf32>
    %mul3A_514 = arith.mulf %slice3A_508, %get3A_33 : vector<256x32xf32>
    %add3A_515 = arith.addf %mul3A_513, %mul3A_514 : vector<256x32xf32>
    %concatenate3A_516 = tpu.concatenate %sub3A_512, %add3A_515 in 1 : vector<256x32xf32>, vector<256x32xf32> -> vector<256x64xf32>
    %add3A_517 = arith.constant 9.99999997E-7 : f32
    %add3A_518 = vector.broadcast %add3A_517 : f32 to vector<256x1xf32>
    %add3A_519 = arith.addf %div3A_507, %add3A_518 : vector<256x1xf32>
    %rsqrt3A_520 = math.rsqrt %add3A_519 : vector<256x1xf32>
    %mul3A_521 = vector.broadcast %rsqrt3A_520 : vector<256x1xf32> to vector<256x64xf32>
    %mul3A_522 = arith.mulf %concatenate3A_516, %mul3A_521 : vector<256x64xf32>
    %mul3A_523 = vector.broadcast %get3A_500 : vector<1x64xf32> to vector<256x64xf32>
    %mul3A_524 = arith.mulf %mul3A_522, %mul3A_523 : vector<256x64xf32>
    %convert_element_type3A_525 = arith.truncf %mul3A_524 : vector<256x64xf32> to vector<256x64xbf16>
    %swap3A_526 = arith.constant 1 : index
    %swap3A_527 = arith.constant 0 : index
    %swap3A_528 = arith.constant 0 : index
    %swap3A_529 = vector.load %arg11[%swap3A_526, %swap3A_527, %swap3A_528] : memref<4x256x64xbf16, #tpu.memory_space<vmem>>, vector<1x256x64xbf16>
    %swap3A_530 = vector.shape_cast %swap3A_529 : vector<1x256x64xbf16> to vector<256x64xbf16>
    %swap3A_531 = vector.shape_cast %convert_element_type3A_525 : vector<256x64xbf16> to vector<1x256x64xbf16>
    tpu.vector_store %arg11[%swap3A_526, %swap3A_527, %swap3A_528], %swap3A_531 {strides = array<i32>} : memref<4x256x64xbf16, #tpu.memory_space<vmem>>, vector<1x256x64xbf16>,
    %slice3A_532 = vector.extract_strided_slice %dot_general3A_27 {offsets = [0, 64], sizes = [256, 64], strides = [1, 1]} : vector<256x256xf32> to vector<256x64xf32>
    %convert_element_type3A_533 = arith.truncf %slice3A_532 : vector<256x64xf32> to vector<256x64xbf16>
    %concatenate3A_534 = tpu.concatenate %convert_element_type3A_533, %broadcast_in_dim3A_450, %broadcast_in_dim3A_452 in 1 : vector<256x64xbf16>, vector<256x1xbf16>, vector<256x63xbf16> -> vector<256x128xbf16>
    %swap3A_535 = arith.constant 1 : index
    %swap3A_536 = arith.constant 0 : index
    %swap3A_537 = arith.constant 0 : index
    %swap3A_538 = vector.load %arg12[%swap3A_535, %swap3A_536, %swap3A_537] : memref<4x256x128xbf16, #tpu.memory_space<vmem>>, vector<1x256x128xbf16>
    %swap3A_539 = vector.shape_cast %swap3A_538 : vector<1x256x128xbf16> to vector<256x128xbf16>
    %swap3A_540 = vector.shape_cast %concatenate3A_534 : vector<256x128xbf16> to vector<1x256x128xbf16>
    tpu.vector_store %arg12[%swap3A_535, %swap3A_536, %swap3A_537], %swap3A_540 {strides = array<i32>} : memref<4x256x128xbf16, #tpu.memory_space<vmem>>, vector<1x256x128xbf16>,
    %slice3A_541 = vector.extract_strided_slice %dot_general3A_22 {offsets = [0, 128], sizes = [256, 64], strides = [1, 1]} : vector<256x256xf32> to vector<256x64xf32>
    %get3A_542 = arith.constant 0 : index
    %get3A_543 = arith.constant 0 : index
    %get3A_544 = vector.load %arg7[%get3A_542, %get3A_543] : memref<1x64xf32, #tpu.memory_space<vmem>>, vector<1x64xf32>
    %mul3A_545 = arith.mulf %slice3A_541, %slice3A_541 : vector<256x64xf32>
    %reduce_sum3A_546 = arith.constant dense<0.000000e+00> : vector<256xf32>
    %reduce_sum3A_547 = vector.multi_reduction <add>, %mul3A_545, %reduce_sum3A_546 [1] : vector<256x64xf32> to vector<256xf32>
    %broadcast_in_dim3A_548 = vector.shape_cast %reduce_sum3A_547 : vector<256xf32> to vector<256x1xf32>
    %div3A_549 = arith.constant 6.400000e+01 : f32
    %div3A_550 = vector.broadcast %div3A_549 : f32 to vector<256x1xf32>
    %div3A_551 = arith.divf %broadcast_in_dim3A_548, %div3A_550 : vector<256x1xf32>
    %slice3A_552 = vector.extract_strided_slice %slice3A_541 {offsets = [0, 0], sizes = [256, 32], strides = [1, 1]} : vector<256x64xf32> to vector<256x32xf32>
    %slice3A_553 = vector.extract_strided_slice %slice3A_541 {offsets = [0, 32], sizes = [256, 32], strides = [1, 1]} : vector<256x64xf32> to vector<256x32xf32>
    %mul3A_554 = arith.mulf %slice3A_552, %get3A_30 : vector<256x32xf32>
    %mul3A_555 = arith.mulf %slice3A_553, %get3A_33 : vector<256x32xf32>
    %sub3A_556 = arith.subf %mul3A_554, %mul3A_555 : vector<256x32xf32>
    %mul3A_557 = arith.mulf %slice3A_553, %get3A_30 : vector<256x32xf32>
    %mul3A_558 = arith.mulf %slice3A_552, %get3A_33 : vector<256x32xf32>
    %add3A_559 = arith.addf %mul3A_557, %mul3A_558 : vector<256x32xf32>
    %concatenate3A_560 = tpu.concatenate %sub3A_556, %add3A_559 in 1 : vector<256x32xf32>, vector<256x32xf32> -> vector<256x64xf32>
    %add3A_561 = arith.constant 9.99999997E-7 : f32
    %add3A_562 = vector.broadcast %add3A_561 : f32 to vector<256x1xf32>
    %add3A_563 = arith.addf %div3A_551, %add3A_562 : vector<256x1xf32>
    %rsqrt3A_564 = math.rsqrt %add3A_563 : vector<256x1xf32>
    %mul3A_565 = vector.broadcast %rsqrt3A_564 : vector<256x1xf32> to vector<256x64xf32>
    %mul3A_566 = arith.mulf %concatenate3A_560, %mul3A_565 : vector<256x64xf32>
    %mul3A_567 = vector.broadcast %get3A_544 : vector<1x64xf32> to vector<256x64xf32>
    %mul3A_568 = arith.mulf %mul3A_566, %mul3A_567 : vector<256x64xf32>
    %convert_element_type3A_569 = arith.truncf %mul3A_568 : vector<256x64xf32> to vector<256x64xbf16>
    %swap3A_570 = arith.constant 2 : index
    %swap3A_571 = arith.constant 0 : index
    %swap3A_572 = arith.constant 0 : index
    %swap3A_573 = vector.load %arg11[%swap3A_570, %swap3A_571, %swap3A_572] : memref<4x256x64xbf16, #tpu.memory_space<vmem>>, vector<1x256x64xbf16>
    %swap3A_574 = vector.shape_cast %swap3A_573 : vector<1x256x64xbf16> to vector<256x64xbf16>
    %swap3A_575 = vector.shape_cast %convert_element_type3A_569 : vector<256x64xbf16> to vector<1x256x64xbf16>
    tpu.vector_store %arg11[%swap3A_570, %swap3A_571, %swap3A_572], %swap3A_575 {strides = array<i32>} : memref<4x256x64xbf16, #tpu.memory_space<vmem>>, vector<1x256x64xbf16>,
    %slice3A_576 = vector.extract_strided_slice %dot_general3A_27 {offsets = [0, 128], sizes = [256, 64], strides = [1, 1]} : vector<256x256xf32> to vector<256x64xf32>
    %convert_element_type3A_577 = arith.truncf %slice3A_576 : vector<256x64xf32> to vector<256x64xbf16>
    %concatenate3A_578 = tpu.concatenate %convert_element_type3A_577, %broadcast_in_dim3A_450, %broadcast_in_dim3A_452 in 1 : vector<256x64xbf16>, vector<256x1xbf16>, vector<256x63xbf16> -> vector<256x128xbf16>
    %swap3A_579 = arith.constant 2 : index
    %swap3A_580 = arith.constant 0 : index
    %swap3A_581 = arith.constant 0 : index
    %swap3A_582 = vector.load %arg12[%swap3A_579, %swap3A_580, %swap3A_581] : memref<4x256x128xbf16, #tpu.memory_space<vmem>>, vector<1x256x128xbf16>
    %swap3A_583 = vector.shape_cast %swap3A_582 : vector<1x256x128xbf16> to vector<256x128xbf16>
    %swap3A_584 = vector.shape_cast %concatenate3A_578 : vector<256x128xbf16> to vector<1x256x128xbf16>
    tpu.vector_store %arg12[%swap3A_579, %swap3A_580, %swap3A_581], %swap3A_584 {strides = array<i32>} : memref<4x256x128xbf16, #tpu.memory_space<vmem>>, vector<1x256x128xbf16>,
    %slice3A_585 = vector.extract_strided_slice %dot_general3A_22 {offsets = [0, 192], sizes = [256, 64], strides = [1, 1]} : vector<256x256xf32> to vector<256x64xf32>
    %get3A_586 = arith.constant 0 : index
    %get3A_587 = arith.constant 0 : index
    %get3A_588 = vector.load %arg7[%get3A_586, %get3A_587] : memref<1x64xf32, #tpu.memory_space<vmem>>, vector<1x64xf32>
    %mul3A_589 = arith.mulf %slice3A_585, %slice3A_585 : vector<256x64xf32>
    %reduce_sum3A_590 = arith.constant dense<0.000000e+00> : vector<256xf32>
    %reduce_sum3A_591 = vector.multi_reduction <add>, %mul3A_589, %reduce_sum3A_590 [1] : vector<256x64xf32> to vector<256xf32>
    %broadcast_in_dim3A_592 = vector.shape_cast %reduce_sum3A_591 : vector<256xf32> to vector<256x1xf32>
    %div3A_593 = arith.constant 6.400000e+01 : f32
    %div3A_594 = vector.broadcast %div3A_593 : f32 to vector<256x1xf32>
    %div3A_595 = arith.divf %broadcast_in_dim3A_592, %div3A_594 : vector<256x1xf32>
    %slice3A_596 = vector.extract_strided_slice %slice3A_585 {offsets = [0, 0], sizes = [256, 32], strides = [1, 1]} : vector<256x64xf32> to vector<256x32xf32>
    %slice3A_597 = vector.extract_strided_slice %slice3A_585 {offsets = [0, 32], sizes = [256, 32], strides = [1, 1]} : vector<256x64xf32> to vector<256x32xf32>
    %mul3A_598 = arith.mulf %slice3A_596, %get3A_30 : vector<256x32xf32>
    %mul3A_599 = arith.mulf %slice3A_597, %get3A_33 : vector<256x32xf32>
    %sub3A_600 = arith.subf %mul3A_598, %mul3A_599 : vector<256x32xf32>
    %mul3A_601 = arith.mulf %slice3A_597, %get3A_30 : vector<256x32xf32>
    %mul3A_602 = arith.mulf %slice3A_596, %get3A_33 : vector<256x32xf32>
    %add3A_603 = arith.addf %mul3A_601, %mul3A_602 : vector<256x32xf32>
    %concatenate3A_604 = tpu.concatenate %sub3A_600, %add3A_603 in 1 : vector<256x32xf32>, vector<256x32xf32> -> vector<256x64xf32>
    %add3A_605 = arith.constant 9.99999997E-7 : f32
    %add3A_606 = vector.broadcast %add3A_605 : f32 to vector<256x1xf32>
    %add3A_607 = arith.addf %div3A_595, %add3A_606 : vector<256x1xf32>
    %rsqrt3A_608 = math.rsqrt %add3A_607 : vector<256x1xf32>
    %mul3A_609 = vector.broadcast %rsqrt3A_608 : vector<256x1xf32> to vector<256x64xf32>
    %mul3A_610 = arith.mulf %concatenate3A_604, %mul3A_609 : vector<256x64xf32>
    %mul3A_611 = vector.broadcast %get3A_588 : vector<1x64xf32> to vector<256x64xf32>
    %mul3A_612 = arith.mulf %mul3A_610, %mul3A_611 : vector<256x64xf32>
    %convert_element_type3A_613 = arith.truncf %mul3A_612 : vector<256x64xf32> to vector<256x64xbf16>
    %swap3A_614 = arith.constant 3 : index
    %swap3A_615 = arith.constant 0 : index
    %swap3A_616 = arith.constant 0 : index
    %swap3A_617 = vector.load %arg11[%swap3A_614, %swap3A_615, %swap3A_616] : memref<4x256x64xbf16, #tpu.memory_space<vmem>>, vector<1x256x64xbf16>
    %swap3A_618 = vector.shape_cast %swap3A_617 : vector<1x256x64xbf16> to vector<256x64xbf16>
    %swap3A_619 = vector.shape_cast %convert_element_type3A_613 : vector<256x64xbf16> to vector<1x256x64xbf16>
    tpu.vector_store %arg11[%swap3A_614, %swap3A_615, %swap3A_616], %swap3A_619 {strides = array<i32>} : memref<4x256x64xbf16, #tpu.memory_space<vmem>>, vector<1x256x64xbf16>,
    %slice3A_620 = vector.extract_strided_slice %dot_general3A_27 {offsets = [0, 192], sizes = [256, 64], strides = [1, 1]} : vector<256x256xf32> to vector<256x64xf32>
    %convert_element_type3A_621 = arith.truncf %slice3A_620 : vector<256x64xf32> to vector<256x64xbf16>
    %concatenate3A_622 = tpu.concatenate %convert_element_type3A_621, %broadcast_in_dim3A_450, %broadcast_in_dim3A_452 in 1 : vector<256x64xbf16>, vector<256x1xbf16>, vector<256x63xbf16> -> vector<256x128xbf16>
    %swap3A_623 = arith.constant 3 : index
    %swap3A_624 = arith.constant 0 : index
    %swap3A_625 = arith.constant 0 : index
    %swap3A_626 = vector.load %arg12[%swap3A_623, %swap3A_624, %swap3A_625] : memref<4x256x128xbf16, #tpu.memory_space<vmem>>, vector<1x256x128xbf16>
    %swap3A_627 = vector.shape_cast %swap3A_626 : vector<1x256x128xbf16> to vector<256x128xbf16>
    %swap3A_628 = vector.shape_cast %concatenate3A_622 : vector<256x128xbf16> to vector<1x256x128xbf16>
    tpu.vector_store %arg12[%swap3A_623, %swap3A_624, %swap3A_625], %swap3A_628 {strides = array<i32>} : memref<4x256x128xbf16, #tpu.memory_space<vmem>>, vector<1x256x128xbf16>,
    return
  }
  func.func @transform_0(%arg0: i32) -> (i32, i32) {
    %c0_i32 = arith.constant 0 : i32
    %c0_i32_0 = arith.constant 0 : i32
    return %arg0, %c0_i32 : i32, i32
  }
  func.func @transform_1(%arg0: i32) -> (i32, i32) {
    %c0_i32 = arith.constant 0 : i32
    %c0_i32_0 = arith.constant 0 : i32
    %c0_i32_1 = arith.constant 0 : i32
    return %c0_i32, %c0_i32_0 : i32, i32
  }
  func.func @transform_2(%arg0: i32) -> (i32, i32) {
    %c0_i32 = arith.constant 0 : i32
    %c0_i32_0 = arith.constant 0 : i32
    %c0_i32_1 = arith.constant 0 : i32
    return %c0_i32, %c0_i32_0 : i32, i32
  }
  func.func @transform_3(%arg0: i32) -> (i32, i32) {
    %c0_i32 = arith.constant 0 : i32
    %c0_i32_0 = arith.constant 0 : i32
    %c0_i32_1 = arith.constant 0 : i32
    return %c0_i32, %c0_i32_0 : i32, i32
  }
  func.func @transform_4(%arg0: i32) -> (i32, i32) {
    %c0_i32 = arith.constant 0 : i32
    %c0_i32_0 = arith.constant 0 : i32
    %c0_i32_1 = arith.constant 0 : i32
    return %c0_i32, %c0_i32_0 : i32, i32
  }
  func.func @transform_5(%arg0: i32) -> (i32, i32) {
    %c0_i32 = arith.constant 0 : i32
    %c0_i32_0 = arith.constant 0 : i32
    %c0_i32_1 = arith.constant 0 : i32
    return %c0_i32, %c0_i32_0 : i32, i32
  }
  func.func @transform_6(%arg0: i32) -> (i32, i32) {
    %c0_i32 = arith.constant 0 : i32
    %c0_i32_0 = arith.constant 0 : i32
    %c0_i32_1 = arith.constant 0 : i32
    return %c0_i32, %c0_i32_0 : i32, i32
  }
  func.func @transform_7(%arg0: i32) -> (i32, i32) {
    %c0_i32 = arith.constant 0 : i32
    %c0_i32_0 = arith.constant 0 : i32
    return %arg0, %c0_i32 : i32, i32
  }
  func.func @transform_8(%arg0: i32) -> (i32, i32) {
    %c0_i32 = arith.constant 0 : i32
    %c0_i32_0 = arith.constant 0 : i32
    return %arg0, %c0_i32 : i32, i32
  }
  func.func @transform_9(%arg0: i32) -> (i32, i32, i32) {
    %c0_i32 = arith.constant 0 : i32
    %c0_i32_0 = arith.constant 0 : i32
    %c0_i32_1 = arith.constant 0 : i32
    return %c0_i32, %arg0, %c0_i32_0 : i32, i32, i32
  }
  func.func @transform_10(%arg0: i32) -> (i32, i32, i32) {
    %c0_i32 = arith.constant 0 : i32
    %c0_i32_0 = arith.constant 0 : i32
    %c0_i32_1 = arith.constant 0 : i32
    return %c0_i32, %arg0, %c0_i32_0 : i32, i32, i32
  }
  func.func @transform_11(%arg0: i32) -> (i32, i32, i32) {
    %c0_i32 = arith.constant 0 : i32
    %c0_i32_0 = arith.constant 0 : i32
    %c0_i32_1 = arith.constant 0 : i32
    return %c0_i32, %arg0, %c0_i32_0 : i32, i32, i32
  }
}

module attributes {stable_mosaic.version = 14 : i64} {
  func.func @_attn_body(%arg0: i32, %arg1: i32, %arg2: memref<3x512x64xbf16, #tpu.memory_space<vmem>>, %arg3: memref<1x2048x64xbf16, #tpu.memory_space<vmem>>, %arg4: memref<1x2048x128xbf16, #tpu.memory_space<vmem>>, %arg5: memref<3x512x64xbf16, #tpu.memory_space<vmem>>, %arg6: memref<1536x128xf32, #tpu.memory_space<vmem>>) attributes {dimension_semantics = [#tpu.dimension_semantics<arbitrary>, #tpu.dimension_semantics<arbitrary>], iteration_bounds = array<i64: 4, 4>, scalar_prefetch = 0 : i64, scratch_operands = 1 : i64, tpu.core_type = #tpu.core_type<tc>, window_params = [{transform_indices = @transform_0, window_bounds = array<i64: 3, 512, 64>}, {transform_indices = @transform_1, window_bounds = array<i64: 1, 2048, 64>}, {transform_indices = @transform_2, window_bounds = array<i64: 1, 2048, 128>}, {transform_indices = @transform_3, window_bounds = array<i64: 3, 512, 64>}]} {
    %get3A = arith.constant 0 : index
    %get3A_0 = arith.constant 0 : index
    %get3A_1 = arith.constant 0 : index
    %get3A_2 = vector.load %arg2[%get3A, %get3A_0, %get3A_1] : memref<3x512x64xbf16, #tpu.memory_space<vmem>>, vector<3x512x64xbf16>
    %reshape3A = vector.shape_cast %get3A_2 : vector<3x512x64xbf16> to vector<1536x64xbf16>
    %mul3A = arith.constant 1.250000e-01 : bf16
    %mul3A_3 = vector.broadcast %mul3A : bf16 to vector<1536x64xbf16>
    %mul3A_4 = arith.mulf %reshape3A, %mul3A_3 : vector<1536x64xbf16>
    %broadcast_in_dim3A = arith.constant 0.000000e+00 : f32
    %broadcast_in_dim3A_5 = vector.broadcast %broadcast_in_dim3A : f32 to vector<1536x128xf32>
    %swap3A = arith.constant 0 : index
    %swap3A_6 = arith.constant 0 : index
    %swap3A_7 = vector.load %arg6[%swap3A, %swap3A_6] : memref<1536x128xf32, #tpu.memory_space<vmem>>, vector<1536x128xf32>
    tpu.vector_store %arg6[%swap3A, %swap3A_6], %broadcast_in_dim3A_5 {strides = array<i32>} : memref<1536x128xf32, #tpu.memory_space<vmem>>, vector<1536x128xf32>,
    %gt3A = arith.constant 0 : i32
    %gt3A_8 = arith.cmpi sgt, %arg1, %gt3A : i32
    %convert_element_type3A = arith.extui %gt3A_8 : i1 to i32
    %cond3A = arith.constant 0 : i32
    %cond3A_9 = arith.cmpi ne, %convert_element_type3A, %cond3A : i32
    scf.if %cond3A_9 {
      %get3A_55 = arith.constant 0 : index
      %get3A_56 = arith.constant 0 : index
      %get3A_57 = arith.constant 0 : index
      %get3A_58 = vector.load %arg3[%get3A_55, %get3A_56, %get3A_57] : memref<1x2048x64xbf16, #tpu.memory_space<vmem>>, vector<1x512x64xbf16>
      %get3A_59 = vector.shape_cast %get3A_58 : vector<1x512x64xbf16> to vector<512x64xbf16>
      %get3A_60 = arith.constant 0 : index
      %get3A_61 = arith.constant 0 : index
      %get3A_62 = arith.constant 0 : index
      %get3A_63 = vector.load %arg4[%get3A_60, %get3A_61, %get3A_62] : memref<1x2048x128xbf16, #tpu.memory_space<vmem>>, vector<1x512x128xbf16>
      %get3A_64 = vector.shape_cast %get3A_63 : vector<1x512x128xbf16> to vector<512x128xbf16>
      %dot_general3A = arith.constant dense<0.000000e+00> : vector<1536x512xf32>
      %dot_general3A_65 = tpu.matmul %mul3A_4, %get3A_59, %dot_general3A {dimension_numbers = #tpu.dot_dimension_numbers<[1], [1], [0], [0], [0, 0, 1, 0], [], []>, transpose_lhs_hint = false} : vector<1536x64xbf16>, vector<512x64xbf16>, vector<1536x512xf32> -> vector<1536x512xf32>
      %exp3A = math.exp %dot_general3A_65 : vector<1536x512xf32>
      %get3A_66 = arith.constant 0 : index
      %get3A_67 = arith.constant 0 : index
      %get3A_68 = vector.load %arg6[%get3A_66, %get3A_67] : memref<1536x128xf32, #tpu.memory_space<vmem>>, vector<1536x128xf32>
      %convert_element_type3A_69 = arith.truncf %exp3A : vector<1536x512xf32> to vector<1536x512xbf16>
      %dot_general3A_70 = arith.constant dense<0.000000e+00> : vector<1536x128xf32>
      %dot_general3A_71 = tpu.matmul %convert_element_type3A_69, %get3A_64, %dot_general3A_70 {dimension_numbers = #tpu.dot_dimension_numbers<[1], [0], [0], [1], [0, 0, 1, 1], [], []>, transpose_lhs_hint = false} : vector<1536x512xbf16>, vector<512x128xbf16>, vector<1536x128xf32> -> vector<1536x128xf32>
      %add3A = arith.addf %get3A_68, %dot_general3A_71 : vector<1536x128xf32>
      %swap3A_72 = arith.constant 0 : index
      %swap3A_73 = arith.constant 0 : index
      %swap3A_74 = vector.load %arg6[%swap3A_72, %swap3A_73] : memref<1536x128xf32, #tpu.memory_space<vmem>>, vector<1536x128xf32>
      tpu.vector_store %arg6[%swap3A_72, %swap3A_73], %add3A {strides = array<i32>} : memref<1536x128xf32, #tpu.memory_space<vmem>>, vector<1536x128xf32>,
    } else {
    }
    %eq3A = arith.constant 0 : i32
    %eq3A_10 = arith.cmpi eq, %arg1, %eq3A : i32
    %convert_element_type3A_11 = arith.extui %eq3A_10 : i1 to i32
    %cond3A_12 = arith.constant 0 : i32
    %cond3A_13 = arith.cmpi ne, %convert_element_type3A_11, %cond3A_12 : i32
    scf.if %cond3A_13 {
      %get3A_55 = arith.constant 0 : index
      %get3A_56 = arith.constant 0 : index
      %get3A_57 = arith.constant 0 : index
      %get3A_58 = vector.load %arg3[%get3A_55, %get3A_56, %get3A_57] : memref<1x2048x64xbf16, #tpu.memory_space<vmem>>, vector<1x512x64xbf16>
      %get3A_59 = vector.shape_cast %get3A_58 : vector<1x512x64xbf16> to vector<512x64xbf16>
      %get3A_60 = arith.constant 0 : index
      %get3A_61 = arith.constant 0 : index
      %get3A_62 = arith.constant 0 : index
      %get3A_63 = vector.load %arg4[%get3A_60, %get3A_61, %get3A_62] : memref<1x2048x128xbf16, #tpu.memory_space<vmem>>, vector<1x512x128xbf16>
      %get3A_64 = vector.shape_cast %get3A_63 : vector<1x512x128xbf16> to vector<512x128xbf16>
      %dot_general3A = arith.constant dense<0.000000e+00> : vector<1536x512xf32>
      %dot_general3A_65 = tpu.matmul %mul3A_4, %get3A_59, %dot_general3A {dimension_numbers = #tpu.dot_dimension_numbers<[1], [1], [0], [0], [0, 0, 1, 0], [], []>, transpose_lhs_hint = false} : vector<1536x64xbf16>, vector<512x64xbf16>, vector<1536x512xf32> -> vector<1536x512xf32>
      %mul3A_66 = arith.constant 512 : i32
      %mul3A_67 = arith.muli %arg1, %mul3A_66 : i32
      %sub3A = arith.constant 0 : i32
      %sub3A_68 = arith.subi %sub3A, %mul3A_67 : i32
      %iota3A = tpu.iota {dimensions = array<i32: 0>} : vector<1536x512xi32>
      %and3A = arith.constant 511 : i32
      %and3A_69 = vector.broadcast %and3A : i32 to vector<1536x512xi32>
      %and3A_70 = arith.andi %iota3A, %and3A_69 : vector<1536x512xi32>
      %iota3A_71 = tpu.iota {dimensions = array<i32: 1>} : vector<1536x512xi32>
      %add3A = vector.broadcast %sub3A_68 : i32 to vector<1536x512xi32>
      %add3A_72 = arith.addi %iota3A_71, %add3A : vector<1536x512xi32>
      %le3A = arith.cmpi sle, %add3A_72, %and3A_70 : vector<1536x512xi32>
      %jit3A = arith.constant -1.000000e+30 : f32
      %broadcast_in_dim3A_73 = vector.broadcast %jit3A : f32 to vector<1536x512xf32>
      %select_n3A = arith.select %le3A, %dot_general3A_65, %broadcast_in_dim3A_73 : vector<1536x512xi1>, vector<1536x512xf32>
      %exp3A = math.exp %select_n3A : vector<1536x512xf32>
      %get3A_74 = arith.constant 0 : index
      %get3A_75 = arith.constant 0 : index
      %get3A_76 = vector.load %arg6[%get3A_74, %get3A_75] : memref<1536x128xf32, #tpu.memory_space<vmem>>, vector<1536x128xf32>
      %convert_element_type3A_77 = arith.truncf %exp3A : vector<1536x512xf32> to vector<1536x512xbf16>
      %dot_general3A_78 = arith.constant dense<0.000000e+00> : vector<1536x128xf32>
      %dot_general3A_79 = tpu.matmul %convert_element_type3A_77, %get3A_64, %dot_general3A_78 {dimension_numbers = #tpu.dot_dimension_numbers<[1], [0], [0], [1], [0, 0, 1, 1], [], []>, transpose_lhs_hint = false} : vector<1536x512xbf16>, vector<512x128xbf16>, vector<1536x128xf32> -> vector<1536x128xf32>
      %add3A_80 = arith.addf %get3A_76, %dot_general3A_79 : vector<1536x128xf32>
      %swap3A_81 = arith.constant 0 : index
      %swap3A_82 = arith.constant 0 : index
      %swap3A_83 = vector.load %arg6[%swap3A_81, %swap3A_82] : memref<1536x128xf32, #tpu.memory_space<vmem>>, vector<1536x128xf32>
      tpu.vector_store %arg6[%swap3A_81, %swap3A_82], %add3A_80 {strides = array<i32>} : memref<1536x128xf32, #tpu.memory_space<vmem>>, vector<1536x128xf32>,
    } else {
    }
    %gt3A_14 = arith.constant 1 : i32
    %gt3A_15 = arith.cmpi sgt, %arg1, %gt3A_14 : i32
    %convert_element_type3A_16 = arith.extui %gt3A_15 : i1 to i32
    %cond3A_17 = arith.constant 0 : i32
    %cond3A_18 = arith.cmpi ne, %convert_element_type3A_16, %cond3A_17 : i32
    scf.if %cond3A_18 {
      %get3A_55 = arith.constant 0 : index
      %get3A_56 = arith.constant 512 : index
      %get3A_57 = arith.constant 0 : index
      %get3A_58 = vector.load %arg3[%get3A_55, %get3A_56, %get3A_57] : memref<1x2048x64xbf16, #tpu.memory_space<vmem>>, vector<1x512x64xbf16>
      %get3A_59 = vector.shape_cast %get3A_58 : vector<1x512x64xbf16> to vector<512x64xbf16>
      %get3A_60 = arith.constant 0 : index
      %get3A_61 = arith.constant 512 : index
      %get3A_62 = arith.constant 0 : index
      %get3A_63 = vector.load %arg4[%get3A_60, %get3A_61, %get3A_62] : memref<1x2048x128xbf16, #tpu.memory_space<vmem>>, vector<1x512x128xbf16>
      %get3A_64 = vector.shape_cast %get3A_63 : vector<1x512x128xbf16> to vector<512x128xbf16>
      %dot_general3A = arith.constant dense<0.000000e+00> : vector<1536x512xf32>
      %dot_general3A_65 = tpu.matmul %mul3A_4, %get3A_59, %dot_general3A {dimension_numbers = #tpu.dot_dimension_numbers<[1], [1], [0], [0], [0, 0, 1, 0], [], []>, transpose_lhs_hint = false} : vector<1536x64xbf16>, vector<512x64xbf16>, vector<1536x512xf32> -> vector<1536x512xf32>
      %exp3A = math.exp %dot_general3A_65 : vector<1536x512xf32>
      %get3A_66 = arith.constant 0 : index
      %get3A_67 = arith.constant 0 : index
      %get3A_68 = vector.load %arg6[%get3A_66, %get3A_67] : memref<1536x128xf32, #tpu.memory_space<vmem>>, vector<1536x128xf32>
      %convert_element_type3A_69 = arith.truncf %exp3A : vector<1536x512xf32> to vector<1536x512xbf16>
      %dot_general3A_70 = arith.constant dense<0.000000e+00> : vector<1536x128xf32>
      %dot_general3A_71 = tpu.matmul %convert_element_type3A_69, %get3A_64, %dot_general3A_70 {dimension_numbers = #tpu.dot_dimension_numbers<[1], [0], [0], [1], [0, 0, 1, 1], [], []>, transpose_lhs_hint = false} : vector<1536x512xbf16>, vector<512x128xbf16>, vector<1536x128xf32> -> vector<1536x128xf32>
      %add3A = arith.addf %get3A_68, %dot_general3A_71 : vector<1536x128xf32>
      %swap3A_72 = arith.constant 0 : index
      %swap3A_73 = arith.constant 0 : index
      %swap3A_74 = vector.load %arg6[%swap3A_72, %swap3A_73] : memref<1536x128xf32, #tpu.memory_space<vmem>>, vector<1536x128xf32>
      tpu.vector_store %arg6[%swap3A_72, %swap3A_73], %add3A {strides = array<i32>} : memref<1536x128xf32, #tpu.memory_space<vmem>>, vector<1536x128xf32>,
    } else {
    }
    %eq3A_19 = arith.constant 1 : i32
    %eq3A_20 = arith.cmpi eq, %arg1, %eq3A_19 : i32
    %convert_element_type3A_21 = arith.extui %eq3A_20 : i1 to i32
    %cond3A_22 = arith.constant 0 : i32
    %cond3A_23 = arith.cmpi ne, %convert_element_type3A_21, %cond3A_22 : i32
    scf.if %cond3A_23 {
      %get3A_55 = arith.constant 0 : index
      %get3A_56 = arith.constant 512 : index
      %get3A_57 = arith.constant 0 : index
      %get3A_58 = vector.load %arg3[%get3A_55, %get3A_56, %get3A_57] : memref<1x2048x64xbf16, #tpu.memory_space<vmem>>, vector<1x512x64xbf16>
      %get3A_59 = vector.shape_cast %get3A_58 : vector<1x512x64xbf16> to vector<512x64xbf16>
      %get3A_60 = arith.constant 0 : index
      %get3A_61 = arith.constant 512 : index
      %get3A_62 = arith.constant 0 : index
      %get3A_63 = vector.load %arg4[%get3A_60, %get3A_61, %get3A_62] : memref<1x2048x128xbf16, #tpu.memory_space<vmem>>, vector<1x512x128xbf16>
      %get3A_64 = vector.shape_cast %get3A_63 : vector<1x512x128xbf16> to vector<512x128xbf16>
      %dot_general3A = arith.constant dense<0.000000e+00> : vector<1536x512xf32>
      %dot_general3A_65 = tpu.matmul %mul3A_4, %get3A_59, %dot_general3A {dimension_numbers = #tpu.dot_dimension_numbers<[1], [1], [0], [0], [0, 0, 1, 0], [], []>, transpose_lhs_hint = false} : vector<1536x64xbf16>, vector<512x64xbf16>, vector<1536x512xf32> -> vector<1536x512xf32>
      %mul3A_66 = arith.constant 512 : i32
      %mul3A_67 = arith.muli %arg1, %mul3A_66 : i32
      %sub3A = arith.constant 512 : i32
      %sub3A_68 = arith.subi %sub3A, %mul3A_67 : i32
      %iota3A = tpu.iota {dimensions = array<i32: 0>} : vector<1536x512xi32>
      %and3A = arith.constant 511 : i32
      %and3A_69 = vector.broadcast %and3A : i32 to vector<1536x512xi32>
      %and3A_70 = arith.andi %iota3A, %and3A_69 : vector<1536x512xi32>
      %iota3A_71 = tpu.iota {dimensions = array<i32: 1>} : vector<1536x512xi32>
      %add3A = vector.broadcast %sub3A_68 : i32 to vector<1536x512xi32>
      %add3A_72 = arith.addi %iota3A_71, %add3A : vector<1536x512xi32>
      %le3A = arith.cmpi sle, %add3A_72, %and3A_70 : vector<1536x512xi32>
      %jit3A = arith.constant -1.000000e+30 : f32
      %broadcast_in_dim3A_73 = vector.broadcast %jit3A : f32 to vector<1536x512xf32>
      %select_n3A = arith.select %le3A, %dot_general3A_65, %broadcast_in_dim3A_73 : vector<1536x512xi1>, vector<1536x512xf32>
      %exp3A = math.exp %select_n3A : vector<1536x512xf32>
      %get3A_74 = arith.constant 0 : index
      %get3A_75 = arith.constant 0 : index
      %get3A_76 = vector.load %arg6[%get3A_74, %get3A_75] : memref<1536x128xf32, #tpu.memory_space<vmem>>, vector<1536x128xf32>
      %convert_element_type3A_77 = arith.truncf %exp3A : vector<1536x512xf32> to vector<1536x512xbf16>
      %dot_general3A_78 = arith.constant dense<0.000000e+00> : vector<1536x128xf32>
      %dot_general3A_79 = tpu.matmul %convert_element_type3A_77, %get3A_64, %dot_general3A_78 {dimension_numbers = #tpu.dot_dimension_numbers<[1], [0], [0], [1], [0, 0, 1, 1], [], []>, transpose_lhs_hint = false} : vector<1536x512xbf16>, vector<512x128xbf16>, vector<1536x128xf32> -> vector<1536x128xf32>
      %add3A_80 = arith.addf %get3A_76, %dot_general3A_79 : vector<1536x128xf32>
      %swap3A_81 = arith.constant 0 : index
      %swap3A_82 = arith.constant 0 : index
      %swap3A_83 = vector.load %arg6[%swap3A_81, %swap3A_82] : memref<1536x128xf32, #tpu.memory_space<vmem>>, vector<1536x128xf32>
      tpu.vector_store %arg6[%swap3A_81, %swap3A_82], %add3A_80 {strides = array<i32>} : memref<1536x128xf32, #tpu.memory_space<vmem>>, vector<1536x128xf32>,
    } else {
    }
    %gt3A_24 = arith.constant 2 : i32
    %gt3A_25 = arith.cmpi sgt, %arg1, %gt3A_24 : i32
    %convert_element_type3A_26 = arith.extui %gt3A_25 : i1 to i32
    %cond3A_27 = arith.constant 0 : i32
    %cond3A_28 = arith.cmpi ne, %convert_element_type3A_26, %cond3A_27 : i32
    scf.if %cond3A_28 {
      %get3A_55 = arith.constant 0 : index
      %get3A_56 = arith.constant 1024 : index
      %get3A_57 = arith.constant 0 : index
      %get3A_58 = vector.load %arg3[%get3A_55, %get3A_56, %get3A_57] : memref<1x2048x64xbf16, #tpu.memory_space<vmem>>, vector<1x512x64xbf16>
      %get3A_59 = vector.shape_cast %get3A_58 : vector<1x512x64xbf16> to vector<512x64xbf16>
      %get3A_60 = arith.constant 0 : index
      %get3A_61 = arith.constant 1024 : index
      %get3A_62 = arith.constant 0 : index
      %get3A_63 = vector.load %arg4[%get3A_60, %get3A_61, %get3A_62] : memref<1x2048x128xbf16, #tpu.memory_space<vmem>>, vector<1x512x128xbf16>
      %get3A_64 = vector.shape_cast %get3A_63 : vector<1x512x128xbf16> to vector<512x128xbf16>
      %dot_general3A = arith.constant dense<0.000000e+00> : vector<1536x512xf32>
      %dot_general3A_65 = tpu.matmul %mul3A_4, %get3A_59, %dot_general3A {dimension_numbers = #tpu.dot_dimension_numbers<[1], [1], [0], [0], [0, 0, 1, 0], [], []>, transpose_lhs_hint = false} : vector<1536x64xbf16>, vector<512x64xbf16>, vector<1536x512xf32> -> vector<1536x512xf32>
      %exp3A = math.exp %dot_general3A_65 : vector<1536x512xf32>
      %get3A_66 = arith.constant 0 : index
      %get3A_67 = arith.constant 0 : index
      %get3A_68 = vector.load %arg6[%get3A_66, %get3A_67] : memref<1536x128xf32, #tpu.memory_space<vmem>>, vector<1536x128xf32>
      %convert_element_type3A_69 = arith.truncf %exp3A : vector<1536x512xf32> to vector<1536x512xbf16>
      %dot_general3A_70 = arith.constant dense<0.000000e+00> : vector<1536x128xf32>
      %dot_general3A_71 = tpu.matmul %convert_element_type3A_69, %get3A_64, %dot_general3A_70 {dimension_numbers = #tpu.dot_dimension_numbers<[1], [0], [0], [1], [0, 0, 1, 1], [], []>, transpose_lhs_hint = false} : vector<1536x512xbf16>, vector<512x128xbf16>, vector<1536x128xf32> -> vector<1536x128xf32>
      %add3A = arith.addf %get3A_68, %dot_general3A_71 : vector<1536x128xf32>
      %swap3A_72 = arith.constant 0 : index
      %swap3A_73 = arith.constant 0 : index
      %swap3A_74 = vector.load %arg6[%swap3A_72, %swap3A_73] : memref<1536x128xf32, #tpu.memory_space<vmem>>, vector<1536x128xf32>
      tpu.vector_store %arg6[%swap3A_72, %swap3A_73], %add3A {strides = array<i32>} : memref<1536x128xf32, #tpu.memory_space<vmem>>, vector<1536x128xf32>,
    } else {
    }
    %eq3A_29 = arith.constant 2 : i32
    %eq3A_30 = arith.cmpi eq, %arg1, %eq3A_29 : i32
    %convert_element_type3A_31 = arith.extui %eq3A_30 : i1 to i32
    %cond3A_32 = arith.constant 0 : i32
    %cond3A_33 = arith.cmpi ne, %convert_element_type3A_31, %cond3A_32 : i32
    scf.if %cond3A_33 {
      %get3A_55 = arith.constant 0 : index
      %get3A_56 = arith.constant 1024 : index
      %get3A_57 = arith.constant 0 : index
      %get3A_58 = vector.load %arg3[%get3A_55, %get3A_56, %get3A_57] : memref<1x2048x64xbf16, #tpu.memory_space<vmem>>, vector<1x512x64xbf16>
      %get3A_59 = vector.shape_cast %get3A_58 : vector<1x512x64xbf16> to vector<512x64xbf16>
      %get3A_60 = arith.constant 0 : index
      %get3A_61 = arith.constant 1024 : index
      %get3A_62 = arith.constant 0 : index
      %get3A_63 = vector.load %arg4[%get3A_60, %get3A_61, %get3A_62] : memref<1x2048x128xbf16, #tpu.memory_space<vmem>>, vector<1x512x128xbf16>
      %get3A_64 = vector.shape_cast %get3A_63 : vector<1x512x128xbf16> to vector<512x128xbf16>
      %dot_general3A = arith.constant dense<0.000000e+00> : vector<1536x512xf32>
      %dot_general3A_65 = tpu.matmul %mul3A_4, %get3A_59, %dot_general3A {dimension_numbers = #tpu.dot_dimension_numbers<[1], [1], [0], [0], [0, 0, 1, 0], [], []>, transpose_lhs_hint = false} : vector<1536x64xbf16>, vector<512x64xbf16>, vector<1536x512xf32> -> vector<1536x512xf32>
      %mul3A_66 = arith.constant 512 : i32
      %mul3A_67 = arith.muli %arg1, %mul3A_66 : i32
      %sub3A = arith.constant 1024 : i32
      %sub3A_68 = arith.subi %sub3A, %mul3A_67 : i32
      %iota3A = tpu.iota {dimensions = array<i32: 0>} : vector<1536x512xi32>
      %and3A = arith.constant 511 : i32
      %and3A_69 = vector.broadcast %and3A : i32 to vector<1536x512xi32>
      %and3A_70 = arith.andi %iota3A, %and3A_69 : vector<1536x512xi32>
      %iota3A_71 = tpu.iota {dimensions = array<i32: 1>} : vector<1536x512xi32>
      %add3A = vector.broadcast %sub3A_68 : i32 to vector<1536x512xi32>
      %add3A_72 = arith.addi %iota3A_71, %add3A : vector<1536x512xi32>
      %le3A = arith.cmpi sle, %add3A_72, %and3A_70 : vector<1536x512xi32>
      %jit3A = arith.constant -1.000000e+30 : f32
      %broadcast_in_dim3A_73 = vector.broadcast %jit3A : f32 to vector<1536x512xf32>
      %select_n3A = arith.select %le3A, %dot_general3A_65, %broadcast_in_dim3A_73 : vector<1536x512xi1>, vector<1536x512xf32>
      %exp3A = math.exp %select_n3A : vector<1536x512xf32>
      %get3A_74 = arith.constant 0 : index
      %get3A_75 = arith.constant 0 : index
      %get3A_76 = vector.load %arg6[%get3A_74, %get3A_75] : memref<1536x128xf32, #tpu.memory_space<vmem>>, vector<1536x128xf32>
      %convert_element_type3A_77 = arith.truncf %exp3A : vector<1536x512xf32> to vector<1536x512xbf16>
      %dot_general3A_78 = arith.constant dense<0.000000e+00> : vector<1536x128xf32>
      %dot_general3A_79 = tpu.matmul %convert_element_type3A_77, %get3A_64, %dot_general3A_78 {dimension_numbers = #tpu.dot_dimension_numbers<[1], [0], [0], [1], [0, 0, 1, 1], [], []>, transpose_lhs_hint = false} : vector<1536x512xbf16>, vector<512x128xbf16>, vector<1536x128xf32> -> vector<1536x128xf32>
      %add3A_80 = arith.addf %get3A_76, %dot_general3A_79 : vector<1536x128xf32>
      %swap3A_81 = arith.constant 0 : index
      %swap3A_82 = arith.constant 0 : index
      %swap3A_83 = vector.load %arg6[%swap3A_81, %swap3A_82] : memref<1536x128xf32, #tpu.memory_space<vmem>>, vector<1536x128xf32>
      tpu.vector_store %arg6[%swap3A_81, %swap3A_82], %add3A_80 {strides = array<i32>} : memref<1536x128xf32, #tpu.memory_space<vmem>>, vector<1536x128xf32>,
    } else {
    }
    %gt3A_34 = arith.constant 3 : i32
    %gt3A_35 = arith.cmpi sgt, %arg1, %gt3A_34 : i32
    %convert_element_type3A_36 = arith.extui %gt3A_35 : i1 to i32
    %cond3A_37 = arith.constant 0 : i32
    %cond3A_38 = arith.cmpi ne, %convert_element_type3A_36, %cond3A_37 : i32
    scf.if %cond3A_38 {
      %get3A_55 = arith.constant 0 : index
      %get3A_56 = arith.constant 1536 : index
      %get3A_57 = arith.constant 0 : index
      %get3A_58 = vector.load %arg3[%get3A_55, %get3A_56, %get3A_57] : memref<1x2048x64xbf16, #tpu.memory_space<vmem>>, vector<1x512x64xbf16>
      %get3A_59 = vector.shape_cast %get3A_58 : vector<1x512x64xbf16> to vector<512x64xbf16>
      %get3A_60 = arith.constant 0 : index
      %get3A_61 = arith.constant 1536 : index
      %get3A_62 = arith.constant 0 : index
      %get3A_63 = vector.load %arg4[%get3A_60, %get3A_61, %get3A_62] : memref<1x2048x128xbf16, #tpu.memory_space<vmem>>, vector<1x512x128xbf16>
      %get3A_64 = vector.shape_cast %get3A_63 : vector<1x512x128xbf16> to vector<512x128xbf16>
      %dot_general3A = arith.constant dense<0.000000e+00> : vector<1536x512xf32>
      %dot_general3A_65 = tpu.matmul %mul3A_4, %get3A_59, %dot_general3A {dimension_numbers = #tpu.dot_dimension_numbers<[1], [1], [0], [0], [0, 0, 1, 0], [], []>, transpose_lhs_hint = false} : vector<1536x64xbf16>, vector<512x64xbf16>, vector<1536x512xf32> -> vector<1536x512xf32>
      %exp3A = math.exp %dot_general3A_65 : vector<1536x512xf32>
      %get3A_66 = arith.constant 0 : index
      %get3A_67 = arith.constant 0 : index
      %get3A_68 = vector.load %arg6[%get3A_66, %get3A_67] : memref<1536x128xf32, #tpu.memory_space<vmem>>, vector<1536x128xf32>
      %convert_element_type3A_69 = arith.truncf %exp3A : vector<1536x512xf32> to vector<1536x512xbf16>
      %dot_general3A_70 = arith.constant dense<0.000000e+00> : vector<1536x128xf32>
      %dot_general3A_71 = tpu.matmul %convert_element_type3A_69, %get3A_64, %dot_general3A_70 {dimension_numbers = #tpu.dot_dimension_numbers<[1], [0], [0], [1], [0, 0, 1, 1], [], []>, transpose_lhs_hint = false} : vector<1536x512xbf16>, vector<512x128xbf16>, vector<1536x128xf32> -> vector<1536x128xf32>
      %add3A = arith.addf %get3A_68, %dot_general3A_71 : vector<1536x128xf32>
      %swap3A_72 = arith.constant 0 : index
      %swap3A_73 = arith.constant 0 : index
      %swap3A_74 = vector.load %arg6[%swap3A_72, %swap3A_73] : memref<1536x128xf32, #tpu.memory_space<vmem>>, vector<1536x128xf32>
      tpu.vector_store %arg6[%swap3A_72, %swap3A_73], %add3A {strides = array<i32>} : memref<1536x128xf32, #tpu.memory_space<vmem>>, vector<1536x128xf32>,
    } else {
    }
    %eq3A_39 = arith.constant 3 : i32
    %eq3A_40 = arith.cmpi eq, %arg1, %eq3A_39 : i32
    %convert_element_type3A_41 = arith.extui %eq3A_40 : i1 to i32
    %cond3A_42 = arith.constant 0 : i32
    %cond3A_43 = arith.cmpi ne, %convert_element_type3A_41, %cond3A_42 : i32
    scf.if %cond3A_43 {
      %get3A_55 = arith.constant 0 : index
      %get3A_56 = arith.constant 1536 : index
      %get3A_57 = arith.constant 0 : index
      %get3A_58 = vector.load %arg3[%get3A_55, %get3A_56, %get3A_57] : memref<1x2048x64xbf16, #tpu.memory_space<vmem>>, vector<1x512x64xbf16>
      %get3A_59 = vector.shape_cast %get3A_58 : vector<1x512x64xbf16> to vector<512x64xbf16>
      %get3A_60 = arith.constant 0 : index
      %get3A_61 = arith.constant 1536 : index
      %get3A_62 = arith.constant 0 : index
      %get3A_63 = vector.load %arg4[%get3A_60, %get3A_61, %get3A_62] : memref<1x2048x128xbf16, #tpu.memory_space<vmem>>, vector<1x512x128xbf16>
      %get3A_64 = vector.shape_cast %get3A_63 : vector<1x512x128xbf16> to vector<512x128xbf16>
      %dot_general3A = arith.constant dense<0.000000e+00> : vector<1536x512xf32>
      %dot_general3A_65 = tpu.matmul %mul3A_4, %get3A_59, %dot_general3A {dimension_numbers = #tpu.dot_dimension_numbers<[1], [1], [0], [0], [0, 0, 1, 0], [], []>, transpose_lhs_hint = false} : vector<1536x64xbf16>, vector<512x64xbf16>, vector<1536x512xf32> -> vector<1536x512xf32>
      %mul3A_66 = arith.constant 512 : i32
      %mul3A_67 = arith.muli %arg1, %mul3A_66 : i32
      %sub3A = arith.constant 1536 : i32
      %sub3A_68 = arith.subi %sub3A, %mul3A_67 : i32
      %iota3A = tpu.iota {dimensions = array<i32: 0>} : vector<1536x512xi32>
      %and3A = arith.constant 511 : i32
      %and3A_69 = vector.broadcast %and3A : i32 to vector<1536x512xi32>
      %and3A_70 = arith.andi %iota3A, %and3A_69 : vector<1536x512xi32>
      %iota3A_71 = tpu.iota {dimensions = array<i32: 1>} : vector<1536x512xi32>
      %add3A = vector.broadcast %sub3A_68 : i32 to vector<1536x512xi32>
      %add3A_72 = arith.addi %iota3A_71, %add3A : vector<1536x512xi32>
      %le3A = arith.cmpi sle, %add3A_72, %and3A_70 : vector<1536x512xi32>
      %jit3A = arith.constant -1.000000e+30 : f32
      %broadcast_in_dim3A_73 = vector.broadcast %jit3A : f32 to vector<1536x512xf32>
      %select_n3A = arith.select %le3A, %dot_general3A_65, %broadcast_in_dim3A_73 : vector<1536x512xi1>, vector<1536x512xf32>
      %exp3A = math.exp %select_n3A : vector<1536x512xf32>
      %get3A_74 = arith.constant 0 : index
      %get3A_75 = arith.constant 0 : index
      %get3A_76 = vector.load %arg6[%get3A_74, %get3A_75] : memref<1536x128xf32, #tpu.memory_space<vmem>>, vector<1536x128xf32>
      %convert_element_type3A_77 = arith.truncf %exp3A : vector<1536x512xf32> to vector<1536x512xbf16>
      %dot_general3A_78 = arith.constant dense<0.000000e+00> : vector<1536x128xf32>
      %dot_general3A_79 = tpu.matmul %convert_element_type3A_77, %get3A_64, %dot_general3A_78 {dimension_numbers = #tpu.dot_dimension_numbers<[1], [0], [0], [1], [0, 0, 1, 1], [], []>, transpose_lhs_hint = false} : vector<1536x512xbf16>, vector<512x128xbf16>, vector<1536x128xf32> -> vector<1536x128xf32>
      %add3A_80 = arith.addf %get3A_76, %dot_general3A_79 : vector<1536x128xf32>
      %swap3A_81 = arith.constant 0 : index
      %swap3A_82 = arith.constant 0 : index
      %swap3A_83 = vector.load %arg6[%swap3A_81, %swap3A_82] : memref<1536x128xf32, #tpu.memory_space<vmem>>, vector<1536x128xf32>
      tpu.vector_store %arg6[%swap3A_81, %swap3A_82], %add3A_80 {strides = array<i32>} : memref<1536x128xf32, #tpu.memory_space<vmem>>, vector<1536x128xf32>,
    } else {
    }
    %get3A_44 = arith.constant 0 : index
    %get3A_45 = arith.constant 0 : index
    %get3A_46 = vector.load %arg6[%get3A_44, %get3A_45] : memref<1536x128xf32, #tpu.memory_space<vmem>>, vector<1536x128xf32>
    %slice3A = vector.extract_strided_slice %get3A_46 {offsets = [0, 0], sizes = [1536, 64], strides = [1, 1]} : vector<1536x128xf32> to vector<1536x64xf32>
    %slice3A_47 = vector.extract_strided_slice %get3A_46 {offsets = [0, 64], sizes = [1536, 1], strides = [1, 1]} : vector<1536x128xf32> to vector<1536x1xf32>
    %div3A = vector.broadcast %slice3A_47 : vector<1536x1xf32> to vector<1536x64xf32>
    %div3A_48 = arith.divf %slice3A, %div3A : vector<1536x64xf32>
    %convert_element_type3A_49 = arith.truncf %div3A_48 : vector<1536x64xf32> to vector<1536x64xbf16>
    %reshape3A_50 = vector.shape_cast %convert_element_type3A_49 : vector<1536x64xbf16> to vector<3x512x64xbf16>
    %swap3A_51 = arith.constant 0 : index
    %swap3A_52 = arith.constant 0 : index
    %swap3A_53 = arith.constant 0 : index
    %swap3A_54 = vector.load %arg5[%swap3A_51, %swap3A_52, %swap3A_53] : memref<3x512x64xbf16, #tpu.memory_space<vmem>>, vector<3x512x64xbf16>
    tpu.vector_store %arg5[%swap3A_51, %swap3A_52, %swap3A_53], %reshape3A_50 {strides = array<i32>} : memref<3x512x64xbf16, #tpu.memory_space<vmem>>, vector<3x512x64xbf16>,
    return
  }
  func.func @transform_0(%arg0: i32, %arg1: i32) -> (i32, i32, i32) {
    %c0_i32 = arith.constant 0 : i32
    %c0_i32_0 = arith.constant 0 : i32
    return %arg0, %arg1, %c0_i32 : i32, i32, i32
  }
  func.func @transform_1(%arg0: i32, %arg1: i32) -> (i32, i32, i32) {
    %c0_i32 = arith.constant 0 : i32
    %c0_i32_0 = arith.constant 0 : i32
    %c0_i32_1 = arith.constant 0 : i32
    return %arg0, %c0_i32, %c0_i32_0 : i32, i32, i32
  }
  func.func @transform_2(%arg0: i32, %arg1: i32) -> (i32, i32, i32) {
    %c0_i32 = arith.constant 0 : i32
    %c0_i32_0 = arith.constant 0 : i32
    %c0_i32_1 = arith.constant 0 : i32
    return %arg0, %c0_i32, %c0_i32_0 : i32, i32, i32
  }
  func.func @transform_3(%arg0: i32, %arg1: i32) -> (i32, i32, i32) {
    %c0_i32 = arith.constant 0 : i32
    %c0_i32_0 = arith.constant 0 : i32
    return %arg0, %arg1, %c0_i32 : i32, i32, i32
  }
}

module attributes {stable_mosaic.version = 14 : i64} {
  func.func @_oproj_body(%arg0: i32, %arg1: memref<12x256x64xbf16, #tpu.memory_space<vmem>>, %arg2: memref<768x768xf32, #tpu.memory_space<vmem>>, %arg3: memref<256x768xf32, #tpu.memory_space<vmem>>, %arg4: memref<256x768xf32, #tpu.memory_space<vmem>>) attributes {dimension_semantics = [#tpu.dimension_semantics<arbitrary>], iteration_bounds = array<i64: 8>, scalar_prefetch = 0 : i64, scratch_operands = 0 : i64, tpu.core_type = #tpu.core_type<tc>, window_params = [{transform_indices = @transform_0, window_bounds = array<i64: 12, 256, 64>}, {pipeline_mode = #tpu.pipeline_mode<synchronous>, transform_indices = @transform_1, window_bounds = array<i64: 768, 768>}, {transform_indices = @transform_2, window_bounds = array<i64: 256, 768>}, {transform_indices = @transform_3, window_bounds = array<i64: 256, 768>}]} {
    %get3A = arith.constant 0 : index
    %get3A_0 = arith.constant 0 : index
    %get3A_1 = arith.constant 0 : index
    %get3A_2 = vector.load %arg1[%get3A, %get3A_0, %get3A_1] : memref<12x256x64xbf16, #tpu.memory_space<vmem>>, vector<1x256x64xbf16>
    %get3A_3 = vector.shape_cast %get3A_2 : vector<1x256x64xbf16> to vector<256x64xbf16>
    %get3A_4 = arith.constant 1 : index
    %get3A_5 = arith.constant 0 : index
    %get3A_6 = arith.constant 0 : index
    %get3A_7 = vector.load %arg1[%get3A_4, %get3A_5, %get3A_6] : memref<12x256x64xbf16, #tpu.memory_space<vmem>>, vector<1x256x64xbf16>
    %get3A_8 = vector.shape_cast %get3A_7 : vector<1x256x64xbf16> to vector<256x64xbf16>
    %get3A_9 = arith.constant 2 : index
    %get3A_10 = arith.constant 0 : index
    %get3A_11 = arith.constant 0 : index
    %get3A_12 = vector.load %arg1[%get3A_9, %get3A_10, %get3A_11] : memref<12x256x64xbf16, #tpu.memory_space<vmem>>, vector<1x256x64xbf16>
    %get3A_13 = vector.shape_cast %get3A_12 : vector<1x256x64xbf16> to vector<256x64xbf16>
    %get3A_14 = arith.constant 3 : index
    %get3A_15 = arith.constant 0 : index
    %get3A_16 = arith.constant 0 : index
    %get3A_17 = vector.load %arg1[%get3A_14, %get3A_15, %get3A_16] : memref<12x256x64xbf16, #tpu.memory_space<vmem>>, vector<1x256x64xbf16>
    %get3A_18 = vector.shape_cast %get3A_17 : vector<1x256x64xbf16> to vector<256x64xbf16>
    %get3A_19 = arith.constant 4 : index
    %get3A_20 = arith.constant 0 : index
    %get3A_21 = arith.constant 0 : index
    %get3A_22 = vector.load %arg1[%get3A_19, %get3A_20, %get3A_21] : memref<12x256x64xbf16, #tpu.memory_space<vmem>>, vector<1x256x64xbf16>
    %get3A_23 = vector.shape_cast %get3A_22 : vector<1x256x64xbf16> to vector<256x64xbf16>
    %get3A_24 = arith.constant 5 : index
    %get3A_25 = arith.constant 0 : index
    %get3A_26 = arith.constant 0 : index
    %get3A_27 = vector.load %arg1[%get3A_24, %get3A_25, %get3A_26] : memref<12x256x64xbf16, #tpu.memory_space<vmem>>, vector<1x256x64xbf16>
    %get3A_28 = vector.shape_cast %get3A_27 : vector<1x256x64xbf16> to vector<256x64xbf16>
    %get3A_29 = arith.constant 6 : index
    %get3A_30 = arith.constant 0 : index
    %get3A_31 = arith.constant 0 : index
    %get3A_32 = vector.load %arg1[%get3A_29, %get3A_30, %get3A_31] : memref<12x256x64xbf16, #tpu.memory_space<vmem>>, vector<1x256x64xbf16>
    %get3A_33 = vector.shape_cast %get3A_32 : vector<1x256x64xbf16> to vector<256x64xbf16>
    %get3A_34 = arith.constant 7 : index
    %get3A_35 = arith.constant 0 : index
    %get3A_36 = arith.constant 0 : index
    %get3A_37 = vector.load %arg1[%get3A_34, %get3A_35, %get3A_36] : memref<12x256x64xbf16, #tpu.memory_space<vmem>>, vector<1x256x64xbf16>
    %get3A_38 = vector.shape_cast %get3A_37 : vector<1x256x64xbf16> to vector<256x64xbf16>
    %get3A_39 = arith.constant 8 : index
    %get3A_40 = arith.constant 0 : index
    %get3A_41 = arith.constant 0 : index
    %get3A_42 = vector.load %arg1[%get3A_39, %get3A_40, %get3A_41] : memref<12x256x64xbf16, #tpu.memory_space<vmem>>, vector<1x256x64xbf16>
    %get3A_43 = vector.shape_cast %get3A_42 : vector<1x256x64xbf16> to vector<256x64xbf16>
    %get3A_44 = arith.constant 9 : index
    %get3A_45 = arith.constant 0 : index
    %get3A_46 = arith.constant 0 : index
    %get3A_47 = vector.load %arg1[%get3A_44, %get3A_45, %get3A_46] : memref<12x256x64xbf16, #tpu.memory_space<vmem>>, vector<1x256x64xbf16>
    %get3A_48 = vector.shape_cast %get3A_47 : vector<1x256x64xbf16> to vector<256x64xbf16>
    %get3A_49 = arith.constant 10 : index
    %get3A_50 = arith.constant 0 : index
    %get3A_51 = arith.constant 0 : index
    %get3A_52 = vector.load %arg1[%get3A_49, %get3A_50, %get3A_51] : memref<12x256x64xbf16, #tpu.memory_space<vmem>>, vector<1x256x64xbf16>
    %get3A_53 = vector.shape_cast %get3A_52 : vector<1x256x64xbf16> to vector<256x64xbf16>
    %get3A_54 = arith.constant 11 : index
    %get3A_55 = arith.constant 0 : index
    %get3A_56 = arith.constant 0 : index
    %get3A_57 = vector.load %arg1[%get3A_54, %get3A_55, %get3A_56] : memref<12x256x64xbf16, #tpu.memory_space<vmem>>, vector<1x256x64xbf16>
    %get3A_58 = vector.shape_cast %get3A_57 : vector<1x256x64xbf16> to vector<256x64xbf16>
    %concatenate3A = tpu.concatenate %get3A_3, %get3A_8, %get3A_13, %get3A_18, %get3A_23, %get3A_28, %get3A_33, %get3A_38, %get3A_43, %get3A_48, %get3A_53, %get3A_58 in 1 : vector<256x64xbf16>, vector<256x64xbf16>, vector<256x64xbf16>, vector<256x64xbf16>, vector<256x64xbf16>, vector<256x64xbf16>, vector<256x64xbf16>, vector<256x64xbf16>, vector<256x64xbf16>, vector<256x64xbf16>, vector<256x64xbf16>, vector<256x64xbf16> -> vector<256x768xbf16>
    %get3A_59 = arith.constant 0 : index
    %get3A_60 = arith.constant 0 : index
    %get3A_61 = vector.load %arg3[%get3A_59, %get3A_60] : memref<256x768xf32, #tpu.memory_space<vmem>>, vector<256x768xf32>
    %get3A_62 = arith.constant 0 : index
    %get3A_63 = arith.constant 0 : index
    %get3A_64 = vector.load %arg2[%get3A_62, %get3A_63] : memref<768x768xf32, #tpu.memory_space<vmem>>, vector<768x768xf32>
    %convert_element_type3A = arith.truncf %get3A_64 : vector<768x768xf32> to vector<768x768xbf16>
    %dot_general3A = arith.constant dense<0.000000e+00> : vector<256x768xf32>
    %dot_general3A_65 = tpu.matmul %concatenate3A, %convert_element_type3A, %dot_general3A {dimension_numbers = #tpu.dot_dimension_numbers<[1], [0], [0], [1], [0, 0, 1, 1], [], []>, transpose_lhs_hint = false} : vector<256x768xbf16>, vector<768x768xbf16>, vector<256x768xf32> -> vector<256x768xf32>
    %add3A = arith.addf %get3A_61, %dot_general3A_65 : vector<256x768xf32>
    %swap3A = arith.constant 0 : index
    %swap3A_66 = arith.constant 0 : index
    %swap3A_67 = vector.load %arg4[%swap3A, %swap3A_66] : memref<256x768xf32, #tpu.memory_space<vmem>>, vector<256x768xf32>
    tpu.vector_store %arg4[%swap3A, %swap3A_66], %add3A {strides = array<i32>} : memref<256x768xf32, #tpu.memory_space<vmem>>, vector<256x768xf32>,
    return
  }
  func.func @transform_0(%arg0: i32) -> (i32, i32, i32) {
    %c0_i32 = arith.constant 0 : i32
    %c0_i32_0 = arith.constant 0 : i32
    %c0_i32_1 = arith.constant 0 : i32
    return %c0_i32, %arg0, %c0_i32_0 : i32, i32, i32
  }
  func.func @transform_1(%arg0: i32) -> (i32, i32) {
    %c0_i32 = arith.constant 0 : i32
    %c0_i32_0 = arith.constant 0 : i32
    %c0_i32_1 = arith.constant 0 : i32
    return %c0_i32, %c0_i32_0 : i32, i32
  }
  func.func @transform_2(%arg0: i32) -> (i32, i32) {
    %c0_i32 = arith.constant 0 : i32
    %c0_i32_0 = arith.constant 0 : i32
    return %arg0, %c0_i32 : i32, i32
  }
  func.func @transform_3(%arg0: i32) -> (i32, i32) {
    %c0_i32 = arith.constant 0 : i32
    %c0_i32_0 = arith.constant 0 : i32
    return %arg0, %c0_i32 : i32, i32
  }
}

module attributes {stable_mosaic.version = 14 : i64} {
  func.func @_moe_body(%arg0: i32, %arg1: memref<97xi32, #tpu.memory_space<smem>>, %arg2: memref<64x768xf32, #tpu.memory_space<vmem>>, %arg3: memref<1x768xf32, #tpu.memory_space<vmem>>, %arg4: memref<1x48x768xf32, #tpu.memory_space<vmem>>, %arg5: memref<1x48x768xf32, #tpu.memory_space<vmem>>, %arg6: memref<1x48x768xf32, #tpu.memory_space<vmem>>, %arg7: memref<64x768xf32, #tpu.memory_space<vmem>>) attributes {dimension_semantics = [#tpu.dimension_semantics<arbitrary>], iteration_bounds = array<i64: 96>, scalar_prefetch = 1 : i64, scratch_operands = 0 : i64, tpu.core_type = #tpu.core_type<tc>, window_params = [{transform_indices = @transform_0, window_bounds = array<i64: 64, 768>}, {pipeline_mode = #tpu.pipeline_mode<synchronous>, transform_indices = @transform_1, window_bounds = array<i64: 1, 768>}, {transform_indices = @transform_2, window_bounds = array<i64: 1, 48, 768>}, {transform_indices = @transform_3, window_bounds = array<i64: 1, 48, 768>}, {transform_indices = @transform_4, window_bounds = array<i64: 1, 48, 768>}, {transform_indices = @transform_5, window_bounds = array<i64: 64, 768>}]} {
    %get3A = arith.constant 96 : index
    %get3A_0 = memref.load %arg1[%get3A] : memref<97xi32, #tpu.memory_space<smem>>
    %lt3A = arith.cmpi slt, %arg0, %get3A_0 : i32
    %convert_element_type3A = arith.extui %lt3A : i1 to i32
    %cond3A = arith.constant 0 : i32
    %cond3A_1 = arith.cmpi ne, %convert_element_type3A, %cond3A : i32
    scf.if %cond3A_1 {
      %get3A_2 = arith.constant 0 : index
      %get3A_3 = arith.constant 0 : index
      %get3A_4 = vector.load %arg2[%get3A_2, %get3A_3] : memref<64x768xf32, #tpu.memory_space<vmem>>, vector<64x768xf32>
      %get3A_5 = arith.constant 0 : index
      %get3A_6 = arith.constant 0 : index
      %get3A_7 = vector.load %arg3[%get3A_5, %get3A_6] : memref<1x768xf32, #tpu.memory_space<vmem>>, vector<1x768xf32>
      %mul3A = arith.mulf %get3A_4, %get3A_4 : vector<64x768xf32>
      %reduce_sum3A = arith.constant dense<0.000000e+00> : vector<64xf32>
      %reduce_sum3A_8 = vector.multi_reduction <add>, %mul3A, %reduce_sum3A [1] : vector<64x768xf32> to vector<64xf32>
      %broadcast_in_dim3A = vector.shape_cast %reduce_sum3A_8 : vector<64xf32> to vector<64x1xf32>
      %div3A = arith.constant 7.680000e+02 : f32
      %div3A_9 = vector.broadcast %div3A : f32 to vector<64x1xf32>
      %div3A_10 = arith.divf %broadcast_in_dim3A, %div3A_9 : vector<64x1xf32>
      %add3A = arith.constant 9.99999997E-7 : f32
      %add3A_11 = vector.broadcast %add3A : f32 to vector<64x1xf32>
      %add3A_12 = arith.addf %div3A_10, %add3A_11 : vector<64x1xf32>
      %rsqrt3A = math.rsqrt %add3A_12 : vector<64x1xf32>
      %mul3A_13 = vector.broadcast %rsqrt3A : vector<64x1xf32> to vector<64x768xf32>
      %mul3A_14 = arith.mulf %get3A_4, %mul3A_13 : vector<64x768xf32>
      %mul3A_15 = vector.broadcast %get3A_7 : vector<1x768xf32> to vector<64x768xf32>
      %mul3A_16 = arith.mulf %mul3A_14, %mul3A_15 : vector<64x768xf32>
      %convert_element_type3A_17 = arith.truncf %mul3A_16 : vector<64x768xf32> to vector<64x768xbf16>
      %get3A_18 = arith.constant 0 : index
      %get3A_19 = arith.constant 0 : index
      %get3A_20 = arith.constant 0 : index
      %get3A_21 = vector.load %arg4[%get3A_18, %get3A_19, %get3A_20] : memref<1x48x768xf32, #tpu.memory_space<vmem>>, vector<1x48x768xf32>
      %get3A_22 = vector.shape_cast %get3A_21 : vector<1x48x768xf32> to vector<48x768xf32>
      %convert_element_type3A_23 = arith.truncf %get3A_22 : vector<48x768xf32> to vector<48x768xbf16>
      %dot_general3A = arith.constant dense<0.000000e+00> : vector<64x48xf32>
      %dot_general3A_24 = tpu.matmul %convert_element_type3A_17, %convert_element_type3A_23, %dot_general3A {dimension_numbers = #tpu.dot_dimension_numbers<[1], [1], [0], [0], [0, 0, 1, 0], [], []>, transpose_lhs_hint = false} : vector<64x768xbf16>, vector<48x768xbf16>, vector<64x48xf32> -> vector<64x48xf32>
      %get3A_25 = arith.constant 0 : index
      %get3A_26 = arith.constant 0 : index
      %get3A_27 = arith.constant 0 : index
      %get3A_28 = vector.load %arg5[%get3A_25, %get3A_26, %get3A_27] : memref<1x48x768xf32, #tpu.memory_space<vmem>>, vector<1x48x768xf32>
      %get3A_29 = vector.shape_cast %get3A_28 : vector<1x48x768xf32> to vector<48x768xf32>
      %convert_element_type3A_30 = arith.truncf %get3A_29 : vector<48x768xf32> to vector<48x768xbf16>
      %dot_general3A_31 = arith.constant dense<0.000000e+00> : vector<64x48xf32>
      %dot_general3A_32 = tpu.matmul %convert_element_type3A_17, %convert_element_type3A_30, %dot_general3A_31 {dimension_numbers = #tpu.dot_dimension_numbers<[1], [1], [0], [0], [0, 0, 1, 0], [], []>, transpose_lhs_hint = false} : vector<64x768xbf16>, vector<48x768xbf16>, vector<64x48xf32> -> vector<64x48xf32>
      %neg3A = arith.constant 0.000000e+00 : f32
      %neg3A_33 = vector.broadcast %neg3A : f32 to vector<64x48xf32>
      %neg3A_34 = arith.subf %neg3A_33, %dot_general3A_24 : vector<64x48xf32>
      %exp3A = math.exp %neg3A_34 : vector<64x48xf32>
      %add3A_35 = arith.constant 1.000000e+00 : f32
      %add3A_36 = vector.broadcast %add3A_35 : f32 to vector<64x48xf32>
      %add3A_37 = arith.addf %add3A_36, %exp3A : vector<64x48xf32>
      %div3A_38 = arith.constant 1.000000e+00 : f32
      %div3A_39 = vector.broadcast %div3A_38 : f32 to vector<64x48xf32>
      %div3A_40 = arith.divf %div3A_39, %add3A_37 : vector<64x48xf32>
      %mul3A_41 = arith.mulf %dot_general3A_24, %div3A_40 : vector<64x48xf32>
      %mul3A_42 = arith.mulf %mul3A_41, %dot_general3A_32 : vector<64x48xf32>
      %convert_element_type3A_43 = arith.truncf %mul3A_42 : vector<64x48xf32> to vector<64x48xbf16>
      %get3A_44 = arith.constant 0 : index
      %get3A_45 = arith.constant 0 : index
      %get3A_46 = arith.constant 0 : index
      %get3A_47 = vector.load %arg6[%get3A_44, %get3A_45, %get3A_46] : memref<1x48x768xf32, #tpu.memory_space<vmem>>, vector<1x48x768xf32>
      %get3A_48 = vector.shape_cast %get3A_47 : vector<1x48x768xf32> to vector<48x768xf32>
      %convert_element_type3A_49 = arith.truncf %get3A_48 : vector<48x768xf32> to vector<48x768xbf16>
      %dot_general3A_50 = arith.constant dense<0.000000e+00> : vector<64x768xf32>
      %dot_general3A_51 = tpu.matmul %convert_element_type3A_43, %convert_element_type3A_49, %dot_general3A_50 {dimension_numbers = #tpu.dot_dimension_numbers<[1], [0], [0], [1], [0, 0, 1, 1], [], []>, transpose_lhs_hint = false} : vector<64x48xbf16>, vector<48x768xbf16>, vector<64x768xf32> -> vector<64x768xf32>
      %add3A_52 = arith.addf %get3A_4, %dot_general3A_51 : vector<64x768xf32>
      %swap3A = arith.constant 0 : index
      %swap3A_53 = arith.constant 0 : index
      %swap3A_54 = vector.load %arg7[%swap3A, %swap3A_53] : memref<64x768xf32, #tpu.memory_space<vmem>>, vector<64x768xf32>
      tpu.vector_store %arg7[%swap3A, %swap3A_53], %add3A_52 {strides = array<i32>} : memref<64x768xf32, #tpu.memory_space<vmem>>, vector<64x768xf32>,
    } else {
    }
    return
  }
  func.func @transform_0(%arg0: i32, %arg1: memref<97xi32, #tpu.memory_space<smem>>) -> (i32, i32) {
    %get3A = arith.constant 96 : index
    %get3A_0 = memref.load %arg1[%get3A] : memref<97xi32, #tpu.memory_space<smem>>
    %sub3A = arith.constant 1 : i32
    %sub3A_1 = arith.subi %get3A_0, %sub3A : i32
    %min3A = arith.minsi %arg0, %sub3A_1 : i32
    %c0_i32 = arith.constant 0 : i32
    %c0_i32_2 = arith.constant 0 : i32
    return %min3A, %c0_i32 : i32, i32
  }
  func.func @transform_1(%arg0: i32, %arg1: memref<97xi32, #tpu.memory_space<smem>>) -> (i32, i32) {
    %c0_i32 = arith.constant 0 : i32
    %c0_i32_0 = arith.constant 0 : i32
    %c0_i32_1 = arith.constant 0 : i32
    return %c0_i32, %c0_i32_0 : i32, i32
  }
  func.func @transform_2(%arg0: i32, %arg1: memref<97xi32, #tpu.memory_space<smem>>) -> (i32, i32, i32) {
    %get3A = arith.index_cast %arg0 : i32 to index
    %get3A_0 = memref.load %arg1[%get3A] : memref<97xi32, #tpu.memory_space<smem>>
    %c0_i32 = arith.constant 0 : i32
    %c0_i32_1 = arith.constant 0 : i32
    %c0_i32_2 = arith.constant 0 : i32
    return %get3A_0, %c0_i32, %c0_i32_1 : i32, i32, i32
  }
  func.func @transform_3(%arg0: i32, %arg1: memref<97xi32, #tpu.memory_space<smem>>) -> (i32, i32, i32) {
    %get3A = arith.index_cast %arg0 : i32 to index
    %get3A_0 = memref.load %arg1[%get3A] : memref<97xi32, #tpu.memory_space<smem>>
    %c0_i32 = arith.constant 0 : i32
    %c0_i32_1 = arith.constant 0 : i32
    %c0_i32_2 = arith.constant 0 : i32
    return %get3A_0, %c0_i32, %c0_i32_1 : i32, i32, i32
  }
  func.func @transform_4(%arg0: i32, %arg1: memref<97xi32, #tpu.memory_space<smem>>) -> (i32, i32, i32) {
    %get3A = arith.index_cast %arg0 : i32 to index
    %get3A_0 = memref.load %arg1[%get3A] : memref<97xi32, #tpu.memory_space<smem>>
    %c0_i32 = arith.constant 0 : i32
    %c0_i32_1 = arith.constant 0 : i32
    %c0_i32_2 = arith.constant 0 : i32
    return %get3A_0, %c0_i32, %c0_i32_1 : i32, i32, i32
  }
  func.func @transform_5(%arg0: i32, %arg1: memref<97xi32, #tpu.memory_space<smem>>) -> (i32, i32) {
    %get3A = arith.constant 96 : index
    %get3A_0 = memref.load %arg1[%get3A] : memref<97xi32, #tpu.memory_space<smem>>
    %sub3A = arith.constant 1 : i32
    %sub3A_1 = arith.subi %get3A_0, %sub3A : i32
    %min3A = arith.minsi %arg0, %sub3A_1 : i32
    %c0_i32 = arith.constant 0 : i32
    %c0_i32_2 = arith.constant 0 : i32
    return %min3A, %c0_i32 : i32, i32
  }
}

</mosaic_0001>

<sc_bundles>
// kernel: kernel.11.cloned.1.call-start
scs
__scs_entry_jumppad:
0x0: {  	(pc) =	sbr.rel $0x88, $3  }
0x1: {  	(tag) =	ssettag $0x0;
	lr =	simm.s32 $0x1  }
0x2: {  	[smem:$0x3F94] =	sst lr;
	_ =	strace $0xD0000000  }
0x3: {  	_ = 	snop  }
0x4: {  	_ = 	snop  }
0x5: {  	_ = 	snop  }
0x6: {  	_ = 	snop  }
0x7: {  	_ = 	snop  }
__scs_overlays_trampoline_lowered:
0x8: {  	[smem:$0x3FA3] =	sst s0  }
0x9: {  	[smem:$0x3FA4] =	sst s1  }
0xa: {  	[smem:$0x3FA5] =	sst s2  }
0xb: {  	[smem:$0x3FA6] =	sst s3  }
0xc: {  	[smem:$0x3FA7] =	sst s4  }
0xd: {  	[smem:$0x3FA8] =	sst s5  }
0xe: {  	[smem:$0x3FA9] =	sst s6  }
0xf: {  	[smem:$0x3FAA] =	sst s7  }
0x10: {  	[smem:$0x3FAB] =	sst s8  }
0x11: {  	[smem:$0x3FAC] =	sst s9;
	s0 =	simm.s32 @!p0 $0x0  }
0x12: {  	s1 =	sld [smem:$0x3F92];
	s0 =	simm.s32 @p0 $0x1  }
0x13: {  	[smem:$0x3FAD] =	sst s0;
	s0 =	simm.s32 @!p1 $0x0  }
0x14: {  	s2 =	sld [smem:$0x3F91];
	s0 =	simm.s32 @p1 $0x1  }
0x15: {  	[smem:$0x3FAE] =	sst s0;
	s0 =	simm.s32 @!p2 $0x0  }
0x16: {  	s3 =	sld [smem:$0x3FDB];
	s0 =	simm.s32 @p2 $0x1  }
0x17: {  	s4 =	simm.s32 $0x1BF5;
	[smem:$0x3FB0] =	sst s0  }
0x18: {  	s0 =	sld [smem:$0x3F93];
	_ =	swait.ge [sflag:s4], $0x0  }
0x19: {  	s7 =	sld [smem:$0x3F94]  }
0x1a: {  	s8 =	sadd.s32 $0xFFFFE003, lr  }
0x1b: {  	s9 =	sadd.s32 $0xFFFFFEF7, lr;
	s5 =	simm.s32 $0xFFFFFFFF;
	p2 =	slt.u32 s8, $0xFFFFF086  }
0x1c: {  	p1 =	slt.u32 s9, $0xF7A;
	s5 =	simm.s32 @!p2 $0x0  }
0x1d: {  	s5 =	simm.s32 @p1 $0x1;
	p0 =	seq.s32 s7, s2  }
0x1e: {  	s7 =	smul.u32 @!p0 $0xF7A, s2;
	p2 =	seq.s32 @!p0 s5, $0x0  }
0x1f: {  	s9 =	smul.u32 $0xF7A, s1;
	s8 =	simm.s32 @!p0 $0x1BF5;
	p2 =	por !p2, p0  }
0x20: {  	[sflag:s8] =	ssyncset.s32 @!p0 $0xFFFFF086;
	s6 =	sadd.s32 @!p0 s3, s7;
	s7 =	simm.s32 @!p0 $0x108  }
0x21: {  	s3 =	sadd.s32 s3, s9;
	s6 =	sadd.s32 @!p0 $0x88, s6;
	s7 =	simm.s32 @p2 $0x1082  }
0x22: {  	[simem:s7], [sflag:s8] =	dma.local @!p0 [hbm:s6], $0xF7A  }
0x23: {  	s9 =	sor.u32 $0xD0000000, s2;
	s6 =	simm.s32 $0x108;
	_ =	swait.ge @!p0 [sflag:s8], $0x0  }
0x24: {  	s3 =	sadd.s32 $0x88, s3;
	s6 =	simm.s32 @!p1 $0x1082;
	[sflag:s4] =	ssyncset.s32 $0xFFFFF086  }
0x25: {  	[simem:s6], [sflag:s4] =	dma.local [hbm:s3], $0xF7A  }
0x26: {  	[smem:$0x3F94] =	sst s1;
	(tag) =	ssettag s2;
	_ =	strace s9  }
0x27: {  	s1 =	sld [smem:$0x3FA4]  }
0x28: {  	s2 =	sld [smem:$0x3FA5]  }
0x29: {  	s4 =	sld [smem:$0x3FA7]  }
0x2a: {  	p0 =	seq.s32 s5, $0x0;
	s5 =	sld [smem:$0x3FA8]  }
0x2b: {  	s6 =	sld [smem:$0x3FA9]  }
0x2c: {  	s7 =	sld [smem:$0x3FAA]  }
0x2d: {  	s3 =	simm.s32 $0x108;
	s8 =	sld [smem:$0x3FAB]  }
0x2e: {  	s3 =	simm.s32 @!p0 $0x1082;
	s9 =	sld [smem:$0x3FAC]  }
0x2f: {  	lr =	sadd.s32 s0, s3;
	s0 =	sld [smem:$0x3FA3]  }
0x30: {  	s3 =	sld [smem:$0x3FA6]  }
0x31: {  	[smem:$0x3FAF] =	sst s10  }
0x32: {  	s10 =	sld [smem:$0x3FAD];
	_ =	sdelay $0x3  }
0x33: {  	p0 =	seq.s32 s10, $0x1;
	s10 =	sld [smem:$0x3FAF];
	_ =	sdelay $0x3  }
0x34: {  	[smem:$0x3FAF] =	sst s10  }
0x35: {  	s10 =	sld [smem:$0x3FAE];
	_ =	sdelay $0x3  }
0x36: {  	p1 =	seq.s32 s10, $0x1;
	s10 =	sld [smem:$0x3FAF];
	_ =	sdelay $0x3  }
0x37: {  	[smem:$0x3FAF] =	sst s10  }
0x38: {  	s10 =	sld [smem:$0x3FB0]  }
0x39: {  	_ = 	snop;
	(pc) =	sbr.ind lr, $3  }
0x3a: {  	_ = 	snop  }
0x3b: {  	_ = 	snop  }
0x3c: {  	p2 =	seq.s32 s10, $0x1;
	s10 =	sld [smem:$0x3FAF]  }
0x3d: {  	_ =	shalt  }
0x3e: {  	_ =	shalt  }
0x3f: {  	_ =	shalt  }
0x40: {  	_ =	shalt  }
0x41: {  	_ =	shalt  }
0x42: {  	_ =	shalt  }
0x43: {  	_ =	shalt  }
0x44: {  	_ =	shalt  }
0x45: {  	_ =	shalt  }
0x46: {  	_ =	shalt  }
0x47: {  	_ =	shalt  }
0x48: {  	_ =	shalt  }
0x49: {  	_ =	shalt  }
0x4a: {  	_ =	shalt  }
0x4b: {  	_ =	shalt  }
0x4c: {  	_ =	shalt  }
0x4d: {  	_ =	shalt  }
0x4e: {  	_ =	shalt  }
0x4f: {  	_ =	shalt  }
0x50: {  	_ =	shalt  }
0x51: {  	_ =	shalt  }
0x52: {  	_ =	shalt  }
0x53: {  	_ =	shalt  }
0x54: {  	_ =	shalt  }
0x55: {  	_ =	shalt  }
0x56: {  	_ =	shalt  }
0x57: {  	_ =	shalt  }
0x58: {  	_ =	shalt  }
0x59: {  	_ =	shalt  }
0x5a: {  	_ =	shalt  }
0x5b: {  	_ =	shalt  }
0x5c: {  	_ =	shalt  }
0x5d: {  	_ =	shalt  }
0x5e: {  	_ =	shalt  }
0x5f: {  	_ =	shalt  }
0x60: {  	_ =	shalt  }
0x61: {  	_ =	shalt  }
0x62: {  	_ =	shalt  }
0x63: {  	_ =	shalt  }
0x64: {  	_ =	shalt  }
0x65: {  	_ =	shalt  }
0x66: {  	_ =	shalt  }
0x67: {  	_ =	shalt  }
0x68: {  	_ =	shalt  }
0x69: {  	_ =	shalt  }
0x6a: {  	_ =	shalt  }
0x6b: {  	_ =	shalt  }
0x6c: {  	_ =	shalt  }
0x6d: {  	_ =	shalt  }
0x6e: {  	_ =	shalt  }
0x6f: {  	_ =	shalt  }
0x70: {  	_ =	shalt  }
0x71: {  	_ =	shalt  }
0x72: {  	_ =	shalt  }
0x73: {  	_ =	shalt  }
0x74: {  	_ =	shalt  }
0x75: {  	_ =	shalt  }
0x76: {  	_ =	shalt  }
0x77: {  	_ =	shalt  }
0x78: {  	_ =	shalt  }
0x79: {  	_ =	shalt  }
0x7a: {  	_ =	shalt  }
0x7b: {  	_ =	shalt  }
0x7c: {  	_ =	shalt  }
0x7d: {  	_ =	shalt  }
0x7e: {  	_ =	shalt  }
0x7f: {  	_ =	shalt  }
0x80: {  	_ =	shalt  }
0x81: {  	_ =	shalt  }
0x82: {  	_ =	shalt  }
0x83: {  	_ =	shalt  }
0x84: {  	_ =	shalt  }
0x85: {  	_ =	shalt  }
0x86: {  	_ =	shalt  }
0x87: {  	_ =	shalt  }
.Lfunc_end0:
.L_simem_size_0:
called_computation.1_lowered:
.L_overlay_start_0:
0x88: {  	s2 =	sld [smem:$0x3FD9]  }
0x89: {  	s3 =	sld [smem:$0x3FFE];
	_ =	sdelay $0x1  }
0x8a: {  	s1 =	srdreg.scid  }
0x8b: {  	s0 =	sand.u32 $0x1, s1  }
0x8c: {  	s17 =	sshll.u32 s0, $0xA;
	s2 =	sadd.s32 s3, s2  }
0x8d: {  	s2 =	sadd.s32 s2, s17  }
0x8e: {  	[smem:$0x3FBB] =	sst s2  }
0x8f: {  	_ = 	snop  }
0x90: {  	s2 =	sld [smem:$0x3FD0];
	(tm) =	ssettm $0x1  }
0x91: {  	s18 =	sld [smem:$0x3FFB];
	_ =	sdelay $0x3  }
0x92: {  	_ =	strace s18  }
0x93: {  	s3 =	sld [smem:$0x3FFC];
	_ =	sdelay $0x3  }
0x94: {  	_ =	strace s3  }
0x95: {  	s3 =	sld [smem:$0x3FFD];
	_ =	sdelay $0x3  }
0x96: {  	_ =	strace s3  }
0x97: {  	_ =	strace $0x8FFFFFFF  }
0x98: {  	s19 =	sld [smem:$0x3FDB];
	_ =	sdelay $0x1  }
0x99: {  	s4 =	simm.s32 $_scs_section_size  }
0x9a: {  	s5 =	simm.s32 $_size__tile_overlayer_lowered;
	s6 =	simm.s32 $_tile_overlayer_lowered  }
0x9b: {  	s22 =	simm.s32 $0x1BFF;
	s21 =	sshll.u32 s6, $0x1;
	s3 =	sadd.s32 s4, s19  }
0x9c: {  	s7 =	simm.s32 $0x0;
	s20 =	sshll.u32 s5, $0x1;
	s5 =	sadd.s32 s21, s3  }
0x9d: {  	[timem:s7], [sflag:s22] =	dma.local [hbm:s5], s20  }
0x9e: {  	_ =	swait.ge [sflag:s22], s20  }
0x9f: {  	s4 =	ssub.s32 $0x0, s20;
	[sflag:s22] =	ssyncset.done $0x0  }
0xa0: {  	[sflag:s22] =	ssyncadd.s32 s4;
	_ =	sdelay $0x1  }
0xa1: {  	s23 =	simm.s32 $0x1B8B  }
0xa2: {  	_ =	swait.ge [sflag:s23], $0x1  }
0xa3: {  	[sflag:s23] =	ssyncset.done $0x0  }
0xa4: {  	s25 =	simm.s32 $0x1B8E;
	s24 =	sld [smem:$0x3FFE];
	[sflag:s23] =	ssyncadd.s32 $0xFFFFFFFF  }
0xa5: {  	s26 =	simm.s32 $execute0_lowered;
	[smem:$0x3FD2] =	sst s25  }
0xa6: {  	s5 =	sshll.u32 s26, $0x1;
	_ =	strace $0x80000049;
	[dreg:$0x1] =	wrdreg $0xFFFFFFFF  }
0xa7: {  	s28 =	simm.s32 $_size_execute0_lowered;
	s3 =	sadd.s32 s3, s5;
	[dreg:$0x0] =	wrdreg $0x0  }
0xa8: {  	s5 =	sshll.u32 s28, $0x1;
	[dreg:$0x2] =	wrdreg s3  }
0xa9: {  	[dreg:$0x3] =	wrdreg s5  }
0xaa: {  	[dreg:$0x4] =	wrdreg $0xC0  }
0xab: {  	_ =	task [dreg:s7], $0x5FFFF  }
0xac: {  	[dreg:$0x1] =	wrdreg $0xFFFFFFFF  }
0xad: {  	[dreg:$0x0] =	wrdreg $0x60  }
0xae: {  	[dreg:$0x2] =	wrdreg s24  }
0xaf: {  	[dreg:$0x3] =	wrdreg s2  }
0xb0: {  	[dreg:$0x4] =	wrdreg $0x9  }
0xb1: {  	_ =	task.clear_ibuf [dreg:s7], $0x5FFFF;
	_ =	strace $0x90000049  }
0xb2: {  	s29 =	simm.s32 $0x9;
	_ =	strace $0x8000004B  }
0xb3: {  	_ =	swait.ge [sflag:s29], $0x1  }
0xb4: {  	[sflag:s29] =	ssyncadd.s32 $0xFFFFFFFF  }
0xb5: {  	_ =	strace $0x9000004B  }
0xb6: {  	_ =	sfence  }
0xb7: {  	s30 =	sld [smem:$0x0];
	_ =	sdelay $0x2  }
0xb8: {  	s31 =	sshll.u32 s1, $0xD;
	s1 =	sshrl.u32 s1, $0x2  }
0xb9: {  	s3 =	sand.u32 $0x4000, s31;
	s1 =	sadd.s32 s1, s30  }
0xba: {  	s0 =	sor.u32 s3, s0;
	s1 =	sshll.u32 s1, $0x11  }
0xbb: {  	s0 =	sor.u32 s1, s0  }
0xbc: {  	s0 =	sadd.s32 $0x8F2B, s0  }
0xbd: {  	[sflag:s0] =	ssyncadd.remote.s32 $0x1  }
0xbe: {  	_ =	sfence.sel $0xFFFF  }
0xbf: {  	[dreg:$0x0] =	wrdreg $0xFFFFFFFF;
	(pc) =	sbr.abs _section_cstart, $3  }
0xc0: {  	[dreg:$0x1] =	wrdreg $0xFFFFFFFF  }
0xc1: {  	_ =	task.clear_ibuf [dreg:s7], $0x2FFFF;
	_ =	strace $0x9FFFFFFF  }
0xc2: {  	(tm) =	ssettm $0x7FFFFFFF  }
0xc3: {  	_ =	shalt  }
tec
execute0_lowered:
.L_overlay_start_1:
0x0: {  	(tag) =	ssettag $0x1  }
0x1: {  	s0 =	rddreg [dreg:$0x0]  }
0x2: {  	s2 =	rddreg [dreg:$0x1];
	s1 =	srdreg.scid;
	s3 =	simm.s32 $0x0  }
0x3: {  	s4 =	stileid.u32;
	s24 =	simm.s32 $0x80;
	s25 =	simm.s32 $0x100  }
0x4: {  	s26 =	simm.s32 $0x180;
	s10 =	simm.s32 $0x5;
	s19 =	simm.s32 $0x1200  }
0x5: {  	s20 =	simm.s32 $0x1A00;
	s21 =	simm.s32 $0x2200;
	s28 =	simm.s32 $0x5200  }
0x6: {  	s29 =	simm.s32 $0x5A00;
	s30 =	simm.s32 $0x6200;
	s31 =	simm.s32 $0x6A00  }
0x7: {  	s11 =	simm.s32 $0x8200;
	s12 =	simm.s32 $0x8A00;
	s13 =	simm.s32 $0x9200  }
0x8: {  	s14 =	simm.s32 $0x9A00;
	s15 =	simm.s32 $0xA200;
	s16 =	simm.s32 $0xAA00  }
0x9: {  	s1 =	sand.u32 $0x1, s1;
	[smem:$0x7FF] =	sst s3;
	s4 =	sshll.u32 s4, $0x4  }
0xa: {  	s6 =	sadd.s32 $0x1400, s0;
	_ =	strace $0x8000004A;
	[dreg:$0x7] =	wrdreg s24  }
0xb: {  	s9 =	sadd.s32 $0x1200, s0;
	s5 =	sshll.u32 s1, $0x3;
	[dreg:$0x8] =	wrdreg s25  }
0xc: {  	s1 =	ssub.s32 $0x2, s1;
	[dreg:$0x9] =	wrdreg s26;
	s24 =	simm.s32 $0x3A00  }
0xd: {  	s25 =	simm.s32 $0x4200;
	s26 =	simm.s32 $0x4A00;
	s5 =	sor.u32 s5, s4  }
0xe: {  	s4 =	sadd.s32 $0x91600, s0;
	s22 =	sshrl.u32 s1, $0x1;
	s7 =	sadd.s32 s6, s5  }
0xf: {  	s8 =	sor.u32 $0x4, s5;
	s5 =	sadd.s32 s9, s5;
	s1 =	ssub.s32 s1, s22  }
0x10: {  	s22 =	simm.s32 $0x2A00;
	[dreg:$0x3] =	wrdreg s7;
	s6 =	sadd.s32 s6, s8  }
0x11: {  	[dreg:$0x5] =	wrdreg s5;
	s23 =	sadd.s32 s9, s8;
	s5 =	sadd.s32 $0x91700, s0  }
0x12: {  	v2 =	vlaneseq.u32;
	s7 =	sadd.s32 $0x100, s2;
	s8 =	sadd.s32 $0x200, s2;
	s9 =	smax.u32 s1, $0x1  }
0x13: {  	vm0 =	vmmov $0xffff;
	v1 =	vshrl.u32 v2, $0x3;
	s1 =	simm.s32 $0x7A00;
	s2 =	simm.s32 $0xB200;
	[dreg:$0x4] =	wrdreg s6  }
0x14: {  	v0 =	vand.u32 $0x7, v2;
	v2 =	vor.u32 $0x8, v2;
	v1 =	vmul.u32 $0x8, v1;
	[dreg:$0x6] =	wrdreg s23;
	s6 =	sadd.s32 $0x91800, s0;
	s23 =	simm.s32 $0x3200  }
.LBB2_1:
0x15: {  	s17 =	rddreg [dreg:$0x3]  }
0x16: {  	[tilespmem:s3], [sflag:$0x5] =	stream.linear.gather [hbm4b:s17+s3], $0x20, $0x38;
	[tilespmem:$0xC200] =	vst v63  }
0x17: {  	_ =	swait.ge [sflag:s10], $0x20  }
0x18: {  	s0 =	rddreg [dreg:$0x4];
	[sflag:s10] =	ssyncset.done $0x0  }
0x19: {  	s18 =	rddreg [dreg:$0x7];
	[sflag:s10] =	ssyncadd.s32 $0xFFFFFFE0  }
0x1a: {  	[tilespmem:s18], [sflag:$0x5] =	stream.linear.gather [hbm4b:s0+s3], $0x20, $0x38;
	[tilespmem:$0xC200] =	vst v63  }
0x1b: {  	_ =	swait.ge [sflag:s10], $0x20  }
0x1c: {  	s18 =	rddreg [dreg:$0x5];
	[sflag:s10] =	ssyncset.done $0x0  }
0x1d: {  	s0 =	rddreg [dreg:$0x8];
	[sflag:s10] =	ssyncadd.s32 $0xFFFFFFE0  }
0x1e: {  	[tilespmem:s0], [sflag:$0x5] =	stream.linear.gather [hbm4b:s18+s3], $0x20, $0x38;
	[tilespmem:$0xC200] =	vst v63  }
0x1f: {  	_ =	swait.ge [sflag:s10], $0x20  }
0x20: {  	s18 =	rddreg [dreg:$0x6];
	[sflag:s10] =	ssyncset.done $0x0  }
0x21: {  	s0 =	rddreg [dreg:$0x9];
	[sflag:s10] =	ssyncadd.s32 $0xFFFFFFE0  }
0x22: {  	[tilespmem:s0], [sflag:$0x5] =	stream.linear.gather [hbm4b:s18+s3], $0x20, $0x38;
	[tilespmem:$0xC200] =	vst v63  }
0x23: {  	_ =	swait.ge [sflag:s10], $0x20  }
0x24: {  	[sflag:s10] =	ssyncset.done $0x0  }
0x25: {  	[sflag:s10] =	ssyncadd.s32 $0xFFFFFFE0  }
0x26: {  	v3 =	vld [tilespmem:$0x0];
	_ =	sdelay $0x4  }
0x27: {  	v4 =	vshrl.u32 v3, $0x3  }
0x28: {  	v4 =	vmul.u32 $0x30, v4  }
0x29: {  	v3 =	vand.u32 $0x7, v3  }
0x2a: {  	v3 =	vor.u32 v3, v4  }
0x2b: {  	v4 =	vperm.xlane v3, v0;
	_ =	sdelay $0x1  }
0x2c: {  	v4 =	vadd.s32 v1, v4;
	_ =	sdelay $0x3  }
0x2d: {  	s17 =	simm.s32 $0x200;
	v3 =	vperm.xlane v3, v2  }
0x2e: {  	[tilespmem:s17], [sflag:$0x1] =	stream.indirect_vreg.gather [hbm4b:s4+s3], $0x80, v4, vm0, $0xb8;
	[tilespmem:$0xC200] =	vst v63  }
0x2f: {  	s18 =	simm.s32 $0xA00;
	v3 =	vadd.s32 v1, v3  }
0x30: {  	[tilespmem:s18], [sflag:$0x1] =	stream.indirect_vreg.gather [hbm4b:s5+s3], $0x80, v4, vm0, $0xb8;
	[tilespmem:$0xC200] =	vst v63  }
0x31: {  	_ = 	snop  }
0x32: {  	[tilespmem:s19], [sflag:$0x1] =	stream.indirect_vreg.gather [hbm4b:s6+s3], $0x80, v4, vm0, $0xb8;
	[tilespmem:$0xC200] =	vst v63  }
0x33: {  	_ = 	snop  }
0x34: {  	[tilespmem:s20], [sflag:$0x1] =	stream.indirect_vreg.gather [hbm4b:s4+s3], $0x80, v3, vm0, $0xb8;
	[tilespmem:$0xC200] =	vst v63  }
0x35: {  	_ = 	snop  }
0x36: {  	[tilespmem:s21], [sflag:$0x1] =	stream.indirect_vreg.gather [hbm4b:s5+s3], $0x80, v3, vm0, $0xb8;
	[tilespmem:$0xC200] =	vst v63  }
0x37: {  	_ = 	snop  }
0x38: {  	[tilespmem:s22], [sflag:$0x1] =	stream.indirect_vreg.gather [hbm4b:s6+s3], $0x80, v3, vm0, $0xb8;
	[tilespmem:$0xC200] =	vst v63  }
0x39: {  	v3 =	vld [tilespmem:$0x10];
	_ =	sdelay $0x4  }
0x3a: {  	v57 =	vshrl.u32 v3, $0x3  }
0x3b: {  	v4 =	vmul.u32 $0x30, v57  }
0x3c: {  	v3 =	vand.u32 $0x7, v3  }
0x3d: {  	v3 =	vor.u32 v3, v4  }
0x3e: {  	v4 =	vperm.xlane v3, v0;
	_ =	sdelay $0x1  }
0x3f: {  	v4 =	vadd.s32 v1, v4;
	_ =	sdelay $0x3  }
0x40: {  	v3 =	vperm.xlane v3, v2  }
0x41: {  	[tilespmem:s23], [sflag:$0x1] =	stream.indirect_vreg.gather [hbm4b:s4+s3], $0x80, v4, vm0, $0xb8;
	[tilespmem:$0xC200] =	vst v63  }
0x42: {  	v3 =	vadd.s32 v1, v3  }
0x43: {  	[tilespmem:s24], [sflag:$0x1] =	stream.indirect_vreg.gather [hbm4b:s5+s3], $0x80, v4, vm0, $0xb8;
	[tilespmem:$0xC200] =	vst v63  }
0x44: {  	_ = 	snop  }
0x45: {  	[tilespmem:s25], [sflag:$0x1] =	stream.indirect_vreg.gather [hbm4b:s6+s3], $0x80, v4, vm0, $0xb8;
	[tilespmem:$0xC200] =	vst v63  }
0x46: {  	_ = 	snop  }
0x47: {  	[tilespmem:s26], [sflag:$0x1] =	stream.indirect_vreg.gather [hbm4b:s4+s3], $0x80, v3, vm0, $0xb8;
	[tilespmem:$0xC200] =	vst v63  }
0x48: {  	_ = 	snop  }
0x49: {  	[tilespmem:s28], [sflag:$0x1] =	stream.indirect_vreg.gather [hbm4b:s5+s3], $0x80, v3, vm0, $0xb8;
	[tilespmem:$0xC200] =	vst v63  }
0x4a: {  	_ = 	snop  }
0x4b: {  	[tilespmem:s29], [sflag:$0x1] =	stream.indirect_vreg.gather [hbm4b:s6+s3], $0x80, v3, vm0, $0xb8;
	[tilespmem:$0xC200] =	vst v63  }
0x4c: {  	v3 =	vld [tilespmem:$0x80];
	_ =	sdelay $0x4  }
0x4d: {  	v58 =	vshrl.u32 v3, $0x3  }
0x4e: {  	v4 =	vmul.u32 $0x30, v58  }
0x4f: {  	v3 =	vand.u32 $0x7, v3  }
0x50: {  	v3 =	vor.u32 v3, v4  }
0x51: {  	v4 =	vperm.xlane v3, v0;
	_ =	sdelay $0x1  }
0x52: {  	v4 =	vadd.s32 v1, v4;
	_ =	sdelay $0x3  }
0x53: {  	v3 =	vperm.xlane v3, v2  }
0x54: {  	[tilespmem:s30], [sflag:$0x2] =	stream.indirect_vreg.gather [hbm4b:s4+s3], $0x80, v4, vm0, $0xb8;
	[tilespmem:$0xC200] =	vst v63  }
0x55: {  	v3 =	vadd.s32 v1, v3  }
0x56: {  	[tilespmem:s31], [sflag:$0x2] =	stream.indirect_vreg.gather [hbm4b:s5+s3], $0x80, v4, vm0, $0xb8;
	[tilespmem:$0xC200] =	vst v63  }
0x57: {  	s0 =	simm.s32 $0x7200  }
0x58: {  	[tilespmem:s0], [sflag:$0x2] =	stream.indirect_vreg.gather [hbm4b:s6+s3], $0x80, v4, vm0, $0xb8;
	[tilespmem:$0xC200] =	vst v63  }
0x59: {  	_ = 	snop  }
0x5a: {  	[tilespmem:s1], [sflag:$0x2] =	stream.indirect_vreg.gather [hbm4b:s4+s3], $0x80, v3, vm0, $0xb8;
	[tilespmem:$0xC200] =	vst v63  }
0x5b: {  	_ = 	snop  }
0x5c: {  	[tilespmem:s11], [sflag:$0x2] =	stream.indirect_vreg.gather [hbm4b:s5+s3], $0x80, v3, vm0, $0xb8;
	[tilespmem:$0xC200] =	vst v63  }
0x5d: {  	_ = 	snop  }
0x5e: {  	[tilespmem:s12], [sflag:$0x2] =	stream.indirect_vreg.gather [hbm4b:s6+s3], $0x80, v3, vm0, $0xb8;
	[tilespmem:$0xC200] =	vst v63  }
0x5f: {  	v3 =	vld [tilespmem:$0x90];
	_ =	sdelay $0x4  }
0x60: {  	v59 =	vshrl.u32 v3, $0x3  }
0x61: {  	v4 =	vmul.u32 $0x30, v59  }
0x62: {  	v3 =	vand.u32 $0x7, v3  }
0x63: {  	v3 =	vor.u32 v3, v4  }
0x64: {  	v4 =	vperm.xlane v3, v0;
	_ =	sdelay $0x1  }
0x65: {  	v4 =	vadd.s32 v1, v4;
	_ =	sdelay $0x3  }
0x66: {  	v3 =	vperm.xlane v3, v2  }
0x67: {  	[tilespmem:s13], [sflag:$0x2] =	stream.indirect_vreg.gather [hbm4b:s4+s3], $0x80, v4, vm0, $0xb8;
	[tilespmem:$0xC200] =	vst v63  }
0x68: {  	v3 =	vadd.s32 v1, v3  }
0x69: {  	[tilespmem:s14], [sflag:$0x2] =	stream.indirect_vreg.gather [hbm4b:s5+s3], $0x80, v4, vm0, $0xb8;
	[tilespmem:$0xC200] =	vst v63  }
0x6a: {  	_ = 	snop  }
0x6b: {  	[tilespmem:s15], [sflag:$0x2] =	stream.indirect_vreg.gather [hbm4b:s6+s3], $0x80, v4, vm0, $0xb8;
	[tilespmem:$0xC200] =	vst v63  }
0x6c: {  	_ = 	snop  }
0x6d: {  	[tilespmem:s16], [sflag:$0x2] =	stream.indirect_vreg.gather [hbm4b:s4+s3], $0x80, v3, vm0, $0xb8;
	[tilespmem:$0xC200] =	vst v63  }
0x6e: {  	_ = 	snop  }
0x6f: {  	[tilespmem:s2], [sflag:$0x2] =	stream.indirect_vreg.gather [hbm4b:s5+s3], $0x80, v3, vm0, $0xb8;
	[tilespmem:$0xC200] =	vst v63  }
0x70: {  	s0 =	simm.s32 $0xBA00  }
0x71: {  	[tilespmem:s0], [sflag:$0x2] =	stream.indirect_vreg.gather [hbm4b:s6+s3], $0x80, v3, vm0, $0xb8;
	[tilespmem:$0xC200] =	vst v63  }
0x72: {  	s0 =	simm.s32 $0x1  }
0x73: {  	_ =	swait.ge [sflag:s0], $0x6000  }
0x74: {  	[sflag:s0] =	ssyncset.done $0x0  }
0x75: {  	[sflag:s0] =	ssyncadd.s32 $0xFFFFA000  }
0x76: {  	v3 =	vld [tilespmem:$0x100];
	_ =	sdelay $0x4  }
0x77: {  	v60 =	vshrl.u32 v3, $0x3  }
0x78: {  	v4 =	vmul.u32 $0x30, v60  }
0x79: {  	v3 =	vand.u32 $0x7, v3  }
0x7a: {  	v3 =	vor.u32 v3, v4  }
0x7b: {  	v4 =	vperm.xlane v3, v0;
	_ =	sdelay $0x1  }
0x7c: {  	v4 =	vadd.s32 v1, v4;
	_ =	sdelay $0x3  }
0x7d: {  	s0 =	rddreg [dreg:$0x1];
	v3 =	vperm.xlane v3, v2  }
0x7e: {  	[hbm4b:s0+s3] =	stream.indirect_vreg.scatter [tilespmem:s17], [sflag:$0x3], $0x80, v4, vm0, $0xb8;
	[tilespmem:$0xC200] =	vst v63  }
0x7f: {  	v3 =	vadd.s32 v1, v3  }
0x80: {  	[hbm4b:s7+s3] =	stream.indirect_vreg.scatter [tilespmem:s18], [sflag:$0x3], $0x80, v4, vm0, $0xb8;
	[tilespmem:$0xC200] =	vst v63  }
0x81: {  	_ = 	snop  }
0x82: {  	[hbm4b:s8+s3] =	stream.indirect_vreg.scatter [tilespmem:s19], [sflag:$0x3], $0x80, v4, vm0, $0xb8;
	[tilespmem:$0xC200] =	vst v63  }
0x83: {  	_ = 	snop  }
0x84: {  	[hbm4b:s0+s3] =	stream.indirect_vreg.scatter [tilespmem:s20], [sflag:$0x3], $0x80, v3, vm0, $0xb8;
	[tilespmem:$0xC200] =	vst v63  }
0x85: {  	_ = 	snop  }
0x86: {  	[hbm4b:s7+s3] =	stream.indirect_vreg.scatter [tilespmem:s21], [sflag:$0x3], $0x80, v3, vm0, $0xb8;
	[tilespmem:$0xC200] =	vst v63  }
0x87: {  	_ = 	snop  }
0x88: {  	[hbm4b:s8+s3] =	stream.indirect_vreg.scatter [tilespmem:s22], [sflag:$0x3], $0x80, v3, vm0, $0xb8;
	[tilespmem:$0xC200] =	vst v63  }
0x89: {  	v3 =	vld [tilespmem:$0x110];
	_ =	sdelay $0x4  }
0x8a: {  	v61 =	vshrl.u32 v3, $0x3  }
0x8b: {  	v4 =	vmul.u32 $0x30, v61  }
0x8c: {  	v3 =	vand.u32 $0x7, v3  }
0x8d: {  	v3 =	vor.u32 v3, v4  }
0x8e: {  	v4 =	vperm.xlane v3, v0;
	_ =	sdelay $0x1  }
0x8f: {  	v4 =	vadd.s32 v1, v4;
	_ =	sdelay $0x3  }
0x90: {  	v3 =	vperm.xlane v3, v2  }
0x91: {  	[hbm4b:s0+s3] =	stream.indirect_vreg.scatter [tilespmem:s23], [sflag:$0x3], $0x80, v4, vm0, $0xb8;
	[tilespmem:$0xC200] =	vst v63  }
0x92: {  	v3 =	vadd.s32 v1, v3  }
0x93: {  	[hbm4b:s7+s3] =	stream.indirect_vreg.scatter [tilespmem:s24], [sflag:$0x3], $0x80, v4, vm0, $0xb8;
	[tilespmem:$0xC200] =	vst v63  }
0x94: {  	_ = 	snop  }
0x95: {  	[hbm4b:s8+s3] =	stream.indirect_vreg.scatter [tilespmem:s25], [sflag:$0x3], $0x80, v4, vm0, $0xb8;
	[tilespmem:$0xC200] =	vst v63  }
0x96: {  	_ = 	snop  }
0x97: {  	[hbm4b:s0+s3] =	stream.indirect_vreg.scatter [tilespmem:s26], [sflag:$0x3], $0x80, v3, vm0, $0xb8;
	[tilespmem:$0xC200] =	vst v63  }
0x98: {  	_ = 	snop  }
0x99: {  	[hbm4b:s7+s3] =	stream.indirect_vreg.scatter [tilespmem:s28], [sflag:$0x3], $0x80, v3, vm0, $0xb8;
	[tilespmem:$0xC200] =	vst v63  }
0x9a: {  	s18 =	simm.s32 $0x2  }
0x9b: {  	[hbm4b:s8+s3] =	stream.indirect_vreg.scatter [tilespmem:s29], [sflag:$0x3], $0x80, v3, vm0, $0xb8;
	[tilespmem:$0xC200] =	vst v63  }
0x9c: {  	_ =	swait.ge [sflag:s18], $0x6000  }
0x9d: {  	[sflag:s18] =	ssyncset.done $0x0  }
0x9e: {  	[sflag:s18] =	ssyncadd.s32 $0xFFFFA000  }
0x9f: {  	v3 =	vld [tilespmem:$0x180];
	_ =	sdelay $0x4  }
0xa0: {  	v62 =	vshrl.u32 v3, $0x3  }
0xa1: {  	v4 =	vmul.u32 $0x30, v62  }
0xa2: {  	v3 =	vand.u32 $0x7, v3  }
0xa3: {  	v3 =	vor.u32 v3, v4  }
0xa4: {  	v4 =	vperm.xlane v3, v0;
	_ =	sdelay $0x1  }
0xa5: {  	v4 =	vadd.s32 v1, v4;
	_ =	sdelay $0x3  }
0xa6: {  	v3 =	vperm.xlane v3, v2  }
0xa7: {  	[hbm4b:s0+s3] =	stream.indirect_vreg.scatter [tilespmem:s30], [sflag:$0x4], $0x80, v4, vm0, $0xb8;
	[tilespmem:$0xC200] =	vst v63  }
0xa8: {  	v3 =	vadd.s32 v1, v3  }
0xa9: {  	[hbm4b:s7+s3] =	stream.indirect_vreg.scatter [tilespmem:s31], [sflag:$0x4], $0x80, v4, vm0, $0xb8;
	[tilespmem:$0xC200] =	vst v63  }
0xaa: {  	s18 =	simm.s32 $0x7200  }
0xab: {  	[hbm4b:s8+s3] =	stream.indirect_vreg.scatter [tilespmem:s18], [sflag:$0x4], $0x80, v4, vm0, $0xb8;
	[tilespmem:$0xC200] =	vst v63  }
0xac: {  	_ = 	snop  }
0xad: {  	[hbm4b:s0+s3] =	stream.indirect_vreg.scatter [tilespmem:s1], [sflag:$0x4], $0x80, v3, vm0, $0xb8;
	[tilespmem:$0xC200] =	vst v63  }
0xae: {  	_ = 	snop  }
0xaf: {  	[hbm4b:s7+s3] =	stream.indirect_vreg.scatter [tilespmem:s11], [sflag:$0x4], $0x80, v3, vm0, $0xb8;
	[tilespmem:$0xC200] =	vst v63  }
0xb0: {  	_ = 	snop  }
0xb1: {  	[hbm4b:s8+s3] =	stream.indirect_vreg.scatter [tilespmem:s12], [sflag:$0x4], $0x80, v3, vm0, $0xb8;
	[tilespmem:$0xC200] =	vst v63  }
0xb2: {  	v3 =	vld [tilespmem:$0x190];
	_ =	sdelay $0x4  }
0xb3: {  	v63 =	vshrl.u32 v3, $0x3  }
0xb4: {  	v4 =	vmul.u32 $0x30, v63  }
0xb5: {  	v3 =	vand.u32 $0x7, v3  }
0xb6: {  	v3 =	vor.u32 v3, v4  }
0xb7: {  	v4 =	vperm.xlane v3, v0;
	_ =	sdelay $0x1  }
0xb8: {  	v4 =	vadd.s32 v1, v4;
	_ =	sdelay $0x3  }
0xb9: {  	v3 =	vperm.xlane v3, v2  }
0xba: {  	[hbm4b:s0+s3] =	stream.indirect_vreg.scatter [tilespmem:s13], [sflag:$0x4], $0x80, v4, vm0, $0xb8;
	[tilespmem:$0xC200] =	vst v63  }
0xbb: {  	v3 =	vadd.s32 v1, v3  }
0xbc: {  	[hbm4b:s7+s3] =	stream.indirect_vreg.scatter [tilespmem:s14], [sflag:$0x4], $0x80, v4, vm0, $0xb8;
	[tilespmem:$0xC200] =	vst v63  }
0xbd: {  	_ = 	snop  }
0xbe: {  	[hbm4b:s8+s3] =	stream.indirect_vreg.scatter [tilespmem:s15], [sflag:$0x4], $0x80, v4, vm0, $0xb8;
	[tilespmem:$0xC200] =	vst v63  }
0xbf: {  	_ = 	snop  }
0xc0: {  	[hbm4b:s0+s3] =	stream.indirect_vreg.scatter [tilespmem:s16], [sflag:$0x4], $0x80, v3, vm0, $0xb8;
	[tilespmem:$0xC200] =	vst v63  }
0xc1: {  	_ = 	snop  }
0xc2: {  	[hbm4b:s7+s3] =	stream.indirect_vreg.scatter [tilespmem:s2], [sflag:$0x4], $0x80, v3, vm0, $0xb8;
	[tilespmem:$0xC200] =	vst v63  }
0xc3: {  	s17 =	simm.s32 $0x3;
	s18 =	simm.s32 $0xBA00  }
0xc4: {  	[hbm4b:s8+s3] =	stream.indirect_vreg.scatter [tilespmem:s18], [sflag:$0x4], $0x80, v3, vm0, $0xb8;
	[tilespmem:$0xC200] =	vst v63  }
0xc5: {  	p0 =	sne.s32 s9, $0x1;
	_ =	swait.ge [sflag:s17], $0x6000  }
.Ltmp0:
0xc6: {  	[sflag:s17] =	ssyncset.done $0x0;
	(pc) =	sbr.rel @p0 .LBB2_1-.Ltmp0, $4  }
0xc7: {  	s18 =	simm.s32 $0x4;
	[sflag:s17] =	ssyncadd.s32 $0xFFFFA000  }
0xc8: {  	_ =	swait.ge [sflag:s18], $0x6000  }
0xc9: {  	[sflag:s18] =	ssyncset.done $0x0  }
0xca: {  	s9 =	sadd.s32 $0xFFFFFFFF, s9;
	[sflag:s18] =	ssyncadd.s32 $0xFFFFA000  }
0xcb: {  	_ =	sfence.sel $0x180000  }
0xcc: {  	[bflag:$0x0] =	sbarrier.arrive $0xFFFF  }
0xcd: {  	_ =	strace $0x9000004A  }
0xce: {  	s0 =	stileid.u32;
	[bflag:$0x2] =	sbarrier.arrive $0xFFFF  }
0xcf: {  	p0 =	sne.s32 s0, $0x0;
	s0 =	rddreg [dreg:$0x2]  }
0xd0: {  	s0 =	sadd.s32 @!p0 $0x100000, s0  }
0xd1: {  	[sflag:s0] =	ssyncadd.tile.s32 @!p0 $0x1;
	_ =	shalt  }
.Lfunc_end2:
_tile_overlayer_lowered:
.L_overlay_start_2:
0xd2: {  	(tag) =	ssettag $0x2  }
0xd3: {  	s0 =	rddreg [dreg:$0x0];
	s2 =	stileid.u32  }
0xd4: {  	s1 =	rddreg [dreg:$0x1];
	p0 =	sne.s32 s2, $0x0  }
0xd5: {  	s3 =	rddreg [dreg:$0x2];
	[bflag:$0x3] =	sbarrier.arrive $0xFFFF;
	s2 =	simm.s32 @!p0 $0x1C05  }
0xd6: {  	[timem:s3], [sflag:s2] =	dma.local @!p0 [hbm:s0], s1  }
0xd7: {  	s0 =	simm.s32 @!p0 $0x5  }
0xd8: {  	_ =	swait.ge @!p0 [sflag:s0], s1  }
0xd9: {  	s1 =	ssub.s32 @!p0 $0x0, s1;
	[sflag:s0] =	ssyncset.done @!p0 $0x0  }
0xda: {  	[sflag:s0] =	ssyncadd.s32 @!p0 s1  }
0xdb: {  	[bflag:$0x3] =	sbarrier.arrive $0xFFFF  }
0xdc: {  	_ =	shalt  }

// kernel: kernel.8.cloned.1.call-start
scs
__scs_entry_jumppad:
0x0: {  	(pc) =	sbr.rel $0x88, $3  }
0x1: {  	(tag) =	ssettag $0x0;
	lr =	simm.s32 $0x1  }
0x2: {  	[smem:$0x3F94] =	sst lr;
	_ =	strace $0xD0000000  }
0x3: {  	_ = 	snop  }
0x4: {  	_ = 	snop  }
0x5: {  	_ = 	snop  }
0x6: {  	_ = 	snop  }
0x7: {  	_ = 	snop  }
__scs_overlays_trampoline_lowered:
0x8: {  	[smem:$0x3FA3] =	sst s0  }
0x9: {  	[smem:$0x3FA4] =	sst s1  }
0xa: {  	[smem:$0x3FA5] =	sst s2  }
0xb: {  	[smem:$0x3FA6] =	sst s3  }
0xc: {  	[smem:$0x3FA7] =	sst s4  }
0xd: {  	[smem:$0x3FA8] =	sst s5  }
0xe: {  	[smem:$0x3FA9] =	sst s6  }
0xf: {  	[smem:$0x3FAA] =	sst s7  }
0x10: {  	[smem:$0x3FAB] =	sst s8  }
0x11: {  	[smem:$0x3FAC] =	sst s9;
	s0 =	simm.s32 @!p0 $0x0  }
0x12: {  	s1 =	sld [smem:$0x3F92];
	s0 =	simm.s32 @p0 $0x1  }
0x13: {  	[smem:$0x3FAD] =	sst s0;
	s0 =	simm.s32 @!p1 $0x0  }
0x14: {  	s2 =	sld [smem:$0x3F91];
	s0 =	simm.s32 @p1 $0x1  }
0x15: {  	[smem:$0x3FAE] =	sst s0;
	s0 =	simm.s32 @!p2 $0x0  }
0x16: {  	s3 =	sld [smem:$0x3FDB];
	s0 =	simm.s32 @p2 $0x1  }
0x17: {  	s4 =	simm.s32 $0x1BF5;
	[smem:$0x3FB0] =	sst s0  }
0x18: {  	s0 =	sld [smem:$0x3F93];
	_ =	swait.ge [sflag:s4], $0x0  }
0x19: {  	s7 =	sld [smem:$0x3F94]  }
0x1a: {  	s8 =	sadd.s32 $0xFFFFE003, lr  }
0x1b: {  	s9 =	sadd.s32 $0xFFFFFEF7, lr;
	s5 =	simm.s32 $0xFFFFFFFF;
	p2 =	slt.u32 s8, $0xFFFFF086  }
0x1c: {  	p1 =	slt.u32 s9, $0xF7A;
	s5 =	simm.s32 @!p2 $0x0  }
0x1d: {  	s5 =	simm.s32 @p1 $0x1;
	p0 =	seq.s32 s7, s2  }
0x1e: {  	s7 =	smul.u32 @!p0 $0xF7A, s2;
	p2 =	seq.s32 @!p0 s5, $0x0  }
0x1f: {  	s9 =	smul.u32 $0xF7A, s1;
	s8 =	simm.s32 @!p0 $0x1BF5;
	p2 =	por !p2, p0  }
0x20: {  	[sflag:s8] =	ssyncset.s32 @!p0 $0xFFFFF086;
	s6 =	sadd.s32 @!p0 s3, s7;
	s7 =	simm.s32 @!p0 $0x108  }
0x21: {  	s3 =	sadd.s32 s3, s9;
	s6 =	sadd.s32 @!p0 $0x88, s6;
	s7 =	simm.s32 @p2 $0x1082  }
0x22: {  	[simem:s7], [sflag:s8] =	dma.local @!p0 [hbm:s6], $0xF7A  }
0x23: {  	s9 =	sor.u32 $0xD0000000, s2;
	s6 =	simm.s32 $0x108;
	_ =	swait.ge @!p0 [sflag:s8], $0x0  }
0x24: {  	s3 =	sadd.s32 $0x88, s3;
	s6 =	simm.s32 @!p1 $0x1082;
	[sflag:s4] =	ssyncset.s32 $0xFFFFF086  }
0x25: {  	[simem:s6], [sflag:s4] =	dma.local [hbm:s3], $0xF7A  }
0x26: {  	[smem:$0x3F94] =	sst s1;
	(tag) =	ssettag s2;
	_ =	strace s9  }
0x27: {  	s1 =	sld [smem:$0x3FA4]  }
0x28: {  	s2 =	sld [smem:$0x3FA5]  }
0x29: {  	s4 =	sld [smem:$0x3FA7]  }
0x2a: {  	p0 =	seq.s32 s5, $0x0;
	s5 =	sld [smem:$0x3FA8]  }
0x2b: {  	s6 =	sld [smem:$0x3FA9]  }
0x2c: {  	s7 =	sld [smem:$0x3FAA]  }
0x2d: {  	s3 =	simm.s32 $0x108;
	s8 =	sld [smem:$0x3FAB]  }
0x2e: {  	s3 =	simm.s32 @!p0 $0x1082;
	s9 =	sld [smem:$0x3FAC]  }
0x2f: {  	lr =	sadd.s32 s0, s3;
	s0 =	sld [smem:$0x3FA3]  }
0x30: {  	s3 =	sld [smem:$0x3FA6]  }
0x31: {  	[smem:$0x3FAF] =	sst s10  }
0x32: {  	s10 =	sld [smem:$0x3FAD];
	_ =	sdelay $0x3  }
0x33: {  	p0 =	seq.s32 s10, $0x1;
	s10 =	sld [smem:$0x3FAF];
	_ =	sdelay $0x3  }
0x34: {  	[smem:$0x3FAF] =	sst s10  }
0x35: {  	s10 =	sld [smem:$0x3FAE];
	_ =	sdelay $0x3  }
0x36: {  	p1 =	seq.s32 s10, $0x1;
	s10 =	sld [smem:$0x3FAF];
	_ =	sdelay $0x3  }
0x37: {  	[smem:$0x3FAF] =	sst s10  }
0x38: {  	s10 =	sld [smem:$0x3FB0]  }
0x39: {  	_ = 	snop;
	(pc) =	sbr.ind lr, $3  }
0x3a: {  	_ = 	snop  }
0x3b: {  	_ = 	snop  }
0x3c: {  	p2 =	seq.s32 s10, $0x1;
	s10 =	sld [smem:$0x3FAF]  }
0x3d: {  	_ =	shalt  }
0x3e: {  	_ =	shalt  }
0x3f: {  	_ =	shalt  }
0x40: {  	_ =	shalt  }
0x41: {  	_ =	shalt  }
0x42: {  	_ =	shalt  }
0x43: {  	_ =	shalt  }
0x44: {  	_ =	shalt  }
0x45: {  	_ =	shalt  }
0x46: {  	_ =	shalt  }
0x47: {  	_ =	shalt  }
0x48: {  	_ =	shalt  }
0x49: {  	_ =	shalt  }
0x4a: {  	_ =	shalt  }
0x4b: {  	_ =	shalt  }
0x4c: {  	_ =	shalt  }
0x4d: {  	_ =	shalt  }
0x4e: {  	_ =	shalt  }
0x4f: {  	_ =	shalt  }
0x50: {  	_ =	shalt  }
0x51: {  	_ =	shalt  }
0x52: {  	_ =	shalt  }
0x53: {  	_ =	shalt  }
0x54: {  	_ =	shalt  }
0x55: {  	_ =	shalt  }
0x56: {  	_ =	shalt  }
0x57: {  	_ =	shalt  }
0x58: {  	_ =	shalt  }
0x59: {  	_ =	shalt  }
0x5a: {  	_ =	shalt  }
0x5b: {  	_ =	shalt  }
0x5c: {  	_ =	shalt  }
0x5d: {  	_ =	shalt  }
0x5e: {  	_ =	shalt  }
0x5f: {  	_ =	shalt  }
0x60: {  	_ =	shalt  }
0x61: {  	_ =	shalt  }
0x62: {  	_ =	shalt  }
0x63: {  	_ =	shalt  }
0x64: {  	_ =	shalt  }
0x65: {  	_ =	shalt  }
0x66: {  	_ =	shalt  }
0x67: {  	_ =	shalt  }
0x68: {  	_ =	shalt  }
0x69: {  	_ =	shalt  }
0x6a: {  	_ =	shalt  }
0x6b: {  	_ =	shalt  }
0x6c: {  	_ =	shalt  }
0x6d: {  	_ =	shalt  }
0x6e: {  	_ =	shalt  }
0x6f: {  	_ =	shalt  }
0x70: {  	_ =	shalt  }
0x71: {  	_ =	shalt  }
0x72: {  	_ =	shalt  }
0x73: {  	_ =	shalt  }
0x74: {  	_ =	shalt  }
0x75: {  	_ =	shalt  }
0x76: {  	_ =	shalt  }
0x77: {  	_ =	shalt  }
0x78: {  	_ =	shalt  }
0x79: {  	_ =	shalt  }
0x7a: {  	_ =	shalt  }
0x7b: {  	_ =	shalt  }
0x7c: {  	_ =	shalt  }
0x7d: {  	_ =	shalt  }
0x7e: {  	_ =	shalt  }
0x7f: {  	_ =	shalt  }
0x80: {  	_ =	shalt  }
0x81: {  	_ =	shalt  }
0x82: {  	_ =	shalt  }
0x83: {  	_ =	shalt  }
0x84: {  	_ =	shalt  }
0x85: {  	_ =	shalt  }
0x86: {  	_ =	shalt  }
0x87: {  	_ =	shalt  }
.Lfunc_end0:
.L_simem_size_0:
called_computation_lowered:
.L_overlay_start_0:
0x88: {  	s2 =	sld [smem:$0x3FD9]  }
0x89: {  	s3 =	sld [smem:$0x3FFE];
	_ =	sdelay $0x1  }
0x8a: {  	s1 =	srdreg.scid  }
0x8b: {  	s0 =	sand.u32 $0x1, s1  }
0x8c: {  	s17 =	sshll.u32 s0, $0xA;
	s2 =	sadd.s32 s3, s2  }
0x8d: {  	s2 =	sadd.s32 s2, s17  }
0x8e: {  	[smem:$0x3FBB] =	sst s2  }
0x8f: {  	_ = 	snop  }
0x90: {  	s2 =	sld [smem:$0x3FD0];
	(tm) =	ssettm $0x1  }
0x91: {  	s18 =	sld [smem:$0x3FFB];
	_ =	sdelay $0x3  }
0x92: {  	_ =	strace s18  }
0x93: {  	s3 =	sld [smem:$0x3FFC];
	_ =	sdelay $0x3  }
0x94: {  	_ =	strace s3  }
0x95: {  	s3 =	sld [smem:$0x3FFD];
	_ =	sdelay $0x3  }
0x96: {  	_ =	strace s3  }
0x97: {  	_ =	strace $0x8FFFFFFF  }
0x98: {  	s19 =	sld [smem:$0x3FDB];
	_ =	sdelay $0x1  }
0x99: {  	s4 =	simm.s32 $_scs_section_size  }
0x9a: {  	s5 =	simm.s32 $_size__tile_overlayer_lowered;
	s6 =	simm.s32 $_tile_overlayer_lowered  }
0x9b: {  	s22 =	simm.s32 $0x1BFF;
	s21 =	sshll.u32 s6, $0x1;
	s3 =	sadd.s32 s4, s19  }
0x9c: {  	s7 =	simm.s32 $0x0;
	s20 =	sshll.u32 s5, $0x1;
	s5 =	sadd.s32 s21, s3  }
0x9d: {  	[timem:s7], [sflag:s22] =	dma.local [hbm:s5], s20  }
0x9e: {  	_ =	swait.ge [sflag:s22], s20  }
0x9f: {  	s4 =	ssub.s32 $0x0, s20;
	[sflag:s22] =	ssyncset.done $0x0  }
0xa0: {  	[sflag:s22] =	ssyncadd.s32 s4;
	_ =	sdelay $0x1  }
0xa1: {  	s23 =	simm.s32 $0x1B8B  }
0xa2: {  	_ =	swait.ge [sflag:s23], $0x1  }
0xa3: {  	[sflag:s23] =	ssyncset.done $0x0  }
0xa4: {  	s25 =	simm.s32 $0x1B8E;
	s24 =	sld [smem:$0x3FFE];
	[sflag:s23] =	ssyncadd.s32 $0xFFFFFFFF  }
0xa5: {  	s26 =	simm.s32 $execute0_lowered;
	[smem:$0x3FD2] =	sst s25  }
0xa6: {  	s5 =	sshll.u32 s26, $0x1;
	_ =	strace $0x80000046;
	[dreg:$0x1] =	wrdreg $0xFFFFFFFF  }
0xa7: {  	s28 =	simm.s32 $_size_execute0_lowered;
	s3 =	sadd.s32 s3, s5;
	[dreg:$0x0] =	wrdreg $0x0  }
0xa8: {  	s5 =	sshll.u32 s28, $0x1;
	[dreg:$0x2] =	wrdreg s3  }
0xa9: {  	[dreg:$0x3] =	wrdreg s5  }
0xaa: {  	[dreg:$0x4] =	wrdreg $0xC0  }
0xab: {  	_ =	task [dreg:s7], $0x5FFFF  }
0xac: {  	[dreg:$0x1] =	wrdreg $0xFFFFFFFF  }
0xad: {  	[dreg:$0x0] =	wrdreg $0x60  }
0xae: {  	[dreg:$0x2] =	wrdreg s2  }
0xaf: {  	[dreg:$0x3] =	wrdreg s24  }
0xb0: {  	[dreg:$0x4] =	wrdreg $0x9  }
0xb1: {  	_ =	task.clear_ibuf [dreg:s7], $0x5FFFF;
	_ =	strace $0x90000046  }
0xb2: {  	s29 =	simm.s32 $0x9;
	_ =	strace $0x80000048  }
0xb3: {  	_ =	swait.ge [sflag:s29], $0x1  }
0xb4: {  	[sflag:s29] =	ssyncadd.s32 $0xFFFFFFFF  }
0xb5: {  	_ =	strace $0x90000048  }
0xb6: {  	_ =	sfence  }
0xb7: {  	s30 =	sld [smem:$0x0];
	_ =	sdelay $0x2  }
0xb8: {  	s31 =	sshll.u32 s1, $0xD;
	s1 =	sshrl.u32 s1, $0x2  }
0xb9: {  	s3 =	sand.u32 $0x4000, s31;
	s1 =	sadd.s32 s1, s30  }
0xba: {  	s0 =	sor.u32 s3, s0;
	s1 =	sshll.u32 s1, $0x11  }
0xbb: {  	s0 =	sor.u32 s1, s0  }
0xbc: {  	s0 =	sadd.s32 $0x8F2B, s0  }
0xbd: {  	[sflag:s0] =	ssyncadd.remote.s32 $0x1  }
0xbe: {  	_ =	sfence.sel $0xFFFF  }
0xbf: {  	[dreg:$0x0] =	wrdreg $0xFFFFFFFF;
	(pc) =	sbr.abs _section_cstart, $3  }
0xc0: {  	[dreg:$0x1] =	wrdreg $0xFFFFFFFF  }
0xc1: {  	_ =	task.clear_ibuf [dreg:s7], $0x2FFFF;
	_ =	strace $0x9FFFFFFF  }
0xc2: {  	(tm) =	ssettm $0x7FFFFFFF  }
0xc3: {  	_ =	shalt  }
tec
execute0_lowered:
.L_overlay_start_1:
0x0: {  	(tag) =	ssettag $0x1  }
0x1: {  	s1 =	rddreg [dreg:$0x0]  }
0x2: {  	s0 =	rddreg [dreg:$0x1];
	s2 =	srdreg.scid  }
0x3: {  	s3 =	simm.s32 $0x0;
	s4 =	stileid.u32;
	s24 =	simm.s32 $0x80  }
0x4: {  	s25 =	simm.s32 $0x100;
	s26 =	simm.s32 $0x180;
	s10 =	simm.s32 $0x5  }
0x5: {  	s19 =	simm.s32 $0x1200;
	s20 =	simm.s32 $0x1A00;
	s21 =	simm.s32 $0x2200  }
0x6: {  	s28 =	simm.s32 $0x5200;
	s29 =	simm.s32 $0x5A00;
	s30 =	simm.s32 $0x6200  }
0x7: {  	s31 =	simm.s32 $0x6A00;
	s11 =	simm.s32 $0x8200;
	s12 =	simm.s32 $0x8A00  }
0x8: {  	s13 =	simm.s32 $0x9200;
	s14 =	simm.s32 $0x9A00;
	s15 =	simm.s32 $0xA200  }
0x9: {  	s16 =	simm.s32 $0xAA00;
	s2 =	sand.u32 $0x1, s2;
	[smem:$0x7FF] =	sst s3  }
0xa: {  	s4 =	sshll.u32 s4, $0x4;
	_ =	strace $0x80000047;
	[dreg:$0x7] =	wrdreg s24  }
0xb: {  	s6 =	sadd.s32 $0x1200, s0;
	s7 =	sadd.s32 $0x1400, s0;
	[dreg:$0x8] =	wrdreg s25  }
0xc: {  	s5 =	sshll.u32 s2, $0x3;
	s2 =	ssub.s32 $0x2, s2;
	[dreg:$0x9] =	wrdreg s26  }
0xd: {  	s24 =	simm.s32 $0x3A00;
	s25 =	simm.s32 $0x4200;
	s26 =	simm.s32 $0x4A00  }
0xe: {  	s5 =	sor.u32 s5, s4;
	s4 =	sadd.s32 $0x1600, s0;
	s22 =	sshrl.u32 s2, $0x1  }
0xf: {  	s8 =	sadd.s32 s6, s5;
	s9 =	sor.u32 $0x4, s5;
	s5 =	sadd.s32 s7, s5  }
0x10: {  	s2 =	ssub.s32 s2, s22;
	s22 =	simm.s32 $0x2A00;
	[dreg:$0x3] =	wrdreg s8  }
0x11: {  	s6 =	sadd.s32 s6, s9;
	[dreg:$0x5] =	wrdreg s5;
	s23 =	sadd.s32 s7, s9  }
0x12: {  	v2 =	vlaneseq.u32;
	s5 =	sadd.s32 $0x100, s1;
	s7 =	sadd.s32 $0x1700, s0;
	s8 =	sadd.s32 $0x1800, s0  }
0x13: {  	vm0 =	vmmov $0xffff;
	v1 =	vshrl.u32 v2, $0x3;
	s9 =	smax.u32 s2, $0x1;
	s2 =	simm.s32 $0x7A00;
	[dreg:$0x4] =	wrdreg s6  }
0x14: {  	v0 =	vand.u32 $0x7, v2;
	v2 =	vor.u32 $0x8, v2;
	v1 =	vmul.u32 $0x8, v1;
	[dreg:$0x6] =	wrdreg s23;
	s6 =	sadd.s32 $0x200, s1;
	s23 =	simm.s32 $0x3200  }
.LBB2_1:
0x15: {  	s17 =	rddreg [dreg:$0x3]  }
0x16: {  	[tilespmem:s3], [sflag:$0x5] =	stream.linear.gather [hbm4b:s17+s3], $0x20, $0x38;
	[tilespmem:$0xC200] =	vst v63  }
0x17: {  	_ =	swait.ge [sflag:s10], $0x20  }
0x18: {  	s1 =	rddreg [dreg:$0x4];
	[sflag:s10] =	ssyncset.done $0x0  }
0x19: {  	s18 =	rddreg [dreg:$0x7];
	[sflag:s10] =	ssyncadd.s32 $0xFFFFFFE0  }
0x1a: {  	[tilespmem:s18], [sflag:$0x5] =	stream.linear.gather [hbm4b:s1+s3], $0x20, $0x38;
	[tilespmem:$0xC200] =	vst v63  }
0x1b: {  	_ =	swait.ge [sflag:s10], $0x20  }
0x1c: {  	s0 =	rddreg [dreg:$0x5];
	[sflag:s10] =	ssyncset.done $0x0  }
0x1d: {  	s1 =	rddreg [dreg:$0x8];
	[sflag:s10] =	ssyncadd.s32 $0xFFFFFFE0  }
0x1e: {  	[tilespmem:s1], [sflag:$0x5] =	stream.linear.gather [hbm4b:s0+s3], $0x20, $0x38;
	[tilespmem:$0xC200] =	vst v63  }
0x1f: {  	_ =	swait.ge [sflag:s10], $0x20  }
0x20: {  	s0 =	rddreg [dreg:$0x6];
	[sflag:s10] =	ssyncset.done $0x0  }
0x21: {  	s1 =	rddreg [dreg:$0x9];
	[sflag:s10] =	ssyncadd.s32 $0xFFFFFFE0  }
0x22: {  	[tilespmem:s1], [sflag:$0x5] =	stream.linear.gather [hbm4b:s0+s3], $0x20, $0x38;
	[tilespmem:$0xC200] =	vst v63  }
0x23: {  	_ =	swait.ge [sflag:s10], $0x20  }
0x24: {  	[sflag:s10] =	ssyncset.done $0x0  }
0x25: {  	[sflag:s10] =	ssyncadd.s32 $0xFFFFFFE0  }
0x26: {  	v3 =	vld [tilespmem:$0x0];
	_ =	sdelay $0x4  }
0x27: {  	v4 =	vshrl.u32 v3, $0x3  }
0x28: {  	v4 =	vmul.u32 $0x30, v4  }
0x29: {  	v3 =	vand.u32 $0x7, v3  }
0x2a: {  	v3 =	vor.u32 v3, v4  }
0x2b: {  	v4 =	vperm.xlane v3, v0;
	_ =	sdelay $0x1  }
0x2c: {  	v4 =	vadd.s32 v1, v4;
	_ =	sdelay $0x3  }
0x2d: {  	s17 =	simm.s32 $0x200;
	s1 =	rddreg [dreg:$0x0];
	v3 =	vperm.xlane v3, v2  }
0x2e: {  	[tilespmem:s17], [sflag:$0x1] =	stream.indirect_vreg.gather [hbm4b:s1+s3], $0x80, v4, vm0, $0xb8;
	[tilespmem:$0xC200] =	vst v63  }
0x2f: {  	s18 =	simm.s32 $0xA00;
	v3 =	vadd.s32 v1, v3  }
0x30: {  	[tilespmem:s18], [sflag:$0x1] =	stream.indirect_vreg.gather [hbm4b:s5+s3], $0x80, v4, vm0, $0xb8;
	[tilespmem:$0xC200] =	vst v63  }
0x31: {  	_ = 	snop  }
0x32: {  	[tilespmem:s19], [sflag:$0x1] =	stream.indirect_vreg.gather [hbm4b:s6+s3], $0x80, v4, vm0, $0xb8;
	[tilespmem:$0xC200] =	vst v63  }
0x33: {  	_ = 	snop  }
0x34: {  	[tilespmem:s20], [sflag:$0x1] =	stream.indirect_vreg.gather [hbm4b:s1+s3], $0x80, v3, vm0, $0xb8;
	[tilespmem:$0xC200] =	vst v63  }
0x35: {  	_ = 	snop  }
0x36: {  	[tilespmem:s21], [sflag:$0x1] =	stream.indirect_vreg.gather [hbm4b:s5+s3], $0x80, v3, vm0, $0xb8;
	[tilespmem:$0xC200] =	vst v63  }
0x37: {  	_ = 	snop  }
0x38: {  	[tilespmem:s22], [sflag:$0x1] =	stream.indirect_vreg.gather [hbm4b:s6+s3], $0x80, v3, vm0, $0xb8;
	[tilespmem:$0xC200] =	vst v63  }
0x39: {  	v3 =	vld [tilespmem:$0x10];
	_ =	sdelay $0x4  }
0x3a: {  	v57 =	vshrl.u32 v3, $0x3  }
0x3b: {  	v4 =	vmul.u32 $0x30, v57  }
0x3c: {  	v3 =	vand.u32 $0x7, v3  }
0x3d: {  	v3 =	vor.u32 v3, v4  }
0x3e: {  	v4 =	vperm.xlane v3, v0;
	_ =	sdelay $0x1  }
0x3f: {  	v4 =	vadd.s32 v1, v4;
	_ =	sdelay $0x3  }
0x40: {  	v3 =	vperm.xlane v3, v2  }
0x41: {  	[tilespmem:s23], [sflag:$0x1] =	stream.indirect_vreg.gather [hbm4b:s1+s3], $0x80, v4, vm0, $0xb8;
	[tilespmem:$0xC200] =	vst v63  }
0x42: {  	v3 =	vadd.s32 v1, v3  }
0x43: {  	[tilespmem:s24], [sflag:$0x1] =	stream.indirect_vreg.gather [hbm4b:s5+s3], $0x80, v4, vm0, $0xb8;
	[tilespmem:$0xC200] =	vst v63  }
0x44: {  	_ = 	snop  }
0x45: {  	[tilespmem:s25], [sflag:$0x1] =	stream.indirect_vreg.gather [hbm4b:s6+s3], $0x80, v4, vm0, $0xb8;
	[tilespmem:$0xC200] =	vst v63  }
0x46: {  	_ = 	snop  }
0x47: {  	[tilespmem:s26], [sflag:$0x1] =	stream.indirect_vreg.gather [hbm4b:s1+s3], $0x80, v3, vm0, $0xb8;
	[tilespmem:$0xC200] =	vst v63  }
0x48: {  	_ = 	snop  }
0x49: {  	[tilespmem:s28], [sflag:$0x1] =	stream.indirect_vreg.gather [hbm4b:s5+s3], $0x80, v3, vm0, $0xb8;
	[tilespmem:$0xC200] =	vst v63  }
0x4a: {  	_ = 	snop  }
0x4b: {  	[tilespmem:s29], [sflag:$0x1] =	stream.indirect_vreg.gather [hbm4b:s6+s3], $0x80, v3, vm0, $0xb8;
	[tilespmem:$0xC200] =	vst v63  }
0x4c: {  	v3 =	vld [tilespmem:$0x80];
	_ =	sdelay $0x4  }
0x4d: {  	v58 =	vshrl.u32 v3, $0x3  }
0x4e: {  	v4 =	vmul.u32 $0x30, v58  }
0x4f: {  	v3 =	vand.u32 $0x7, v3  }
0x50: {  	v3 =	vor.u32 v3, v4  }
0x51: {  	v4 =	vperm.xlane v3, v0;
	_ =	sdelay $0x1  }
0x52: {  	v4 =	vadd.s32 v1, v4;
	_ =	sdelay $0x3  }
0x53: {  	v3 =	vperm.xlane v3, v2  }
0x54: {  	[tilespmem:s30], [sflag:$0x2] =	stream.indirect_vreg.gather [hbm4b:s1+s3], $0x80, v4, vm0, $0xb8;
	[tilespmem:$0xC200] =	vst v63  }
0x55: {  	v3 =	vadd.s32 v1, v3  }
0x56: {  	[tilespmem:s31], [sflag:$0x2] =	stream.indirect_vreg.gather [hbm4b:s5+s3], $0x80, v4, vm0, $0xb8;
	[tilespmem:$0xC200] =	vst v63  }
0x57: {  	s0 =	simm.s32 $0x7200  }
0x58: {  	[tilespmem:s0], [sflag:$0x2] =	stream.indirect_vreg.gather [hbm4b:s6+s3], $0x80, v4, vm0, $0xb8;
	[tilespmem:$0xC200] =	vst v63  }
0x59: {  	_ = 	snop  }
0x5a: {  	[tilespmem:s2], [sflag:$0x2] =	stream.indirect_vreg.gather [hbm4b:s1+s3], $0x80, v3, vm0, $0xb8;
	[tilespmem:$0xC200] =	vst v63  }
0x5b: {  	_ = 	snop  }
0x5c: {  	[tilespmem:s11], [sflag:$0x2] =	stream.indirect_vreg.gather [hbm4b:s5+s3], $0x80, v3, vm0, $0xb8;
	[tilespmem:$0xC200] =	vst v63  }
0x5d: {  	_ = 	snop  }
0x5e: {  	[tilespmem:s12], [sflag:$0x2] =	stream.indirect_vreg.gather [hbm4b:s6+s3], $0x80, v3, vm0, $0xb8;
	[tilespmem:$0xC200] =	vst v63  }
0x5f: {  	v3 =	vld [tilespmem:$0x90];
	_ =	sdelay $0x4  }
0x60: {  	v59 =	vshrl.u32 v3, $0x3  }
0x61: {  	v4 =	vmul.u32 $0x30, v59  }
0x62: {  	v3 =	vand.u32 $0x7, v3  }
0x63: {  	v3 =	vor.u32 v3, v4  }
0x64: {  	v4 =	vperm.xlane v3, v0;
	_ =	sdelay $0x1  }
0x65: {  	v4 =	vadd.s32 v1, v4;
	_ =	sdelay $0x3  }
0x66: {  	v3 =	vperm.xlane v3, v2  }
0x67: {  	[tilespmem:s13], [sflag:$0x2] =	stream.indirect_vreg.gather [hbm4b:s1+s3], $0x80, v4, vm0, $0xb8;
	[tilespmem:$0xC200] =	vst v63  }
0x68: {  	v3 =	vadd.s32 v1, v3  }
0x69: {  	[tilespmem:s14], [sflag:$0x2] =	stream.indirect_vreg.gather [hbm4b:s5+s3], $0x80, v4, vm0, $0xb8;
	[tilespmem:$0xC200] =	vst v63  }
0x6a: {  	_ = 	snop  }
0x6b: {  	[tilespmem:s15], [sflag:$0x2] =	stream.indirect_vreg.gather [hbm4b:s6+s3], $0x80, v4, vm0, $0xb8;
	[tilespmem:$0xC200] =	vst v63  }
0x6c: {  	_ = 	snop  }
0x6d: {  	[tilespmem:s16], [sflag:$0x2] =	stream.indirect_vreg.gather [hbm4b:s1+s3], $0x80, v3, vm0, $0xb8;
	[tilespmem:$0xC200] =	vst v63  }
0x6e: {  	s1 =	simm.s32 $0xB200  }
0x6f: {  	[tilespmem:s1], [sflag:$0x2] =	stream.indirect_vreg.gather [hbm4b:s5+s3], $0x80, v3, vm0, $0xb8;
	[tilespmem:$0xC200] =	vst v63  }
0x70: {  	s0 =	simm.s32 $0xBA00  }
0x71: {  	[tilespmem:s0], [sflag:$0x2] =	stream.indirect_vreg.gather [hbm4b:s6+s3], $0x80, v3, vm0, $0xb8;
	[tilespmem:$0xC200] =	vst v63  }
0x72: {  	s0 =	simm.s32 $0x1  }
0x73: {  	_ =	swait.ge [sflag:s0], $0x6000  }
0x74: {  	[sflag:s0] =	ssyncset.done $0x0  }
0x75: {  	[sflag:s0] =	ssyncadd.s32 $0xFFFFA000  }
0x76: {  	v3 =	vld [tilespmem:$0x100];
	_ =	sdelay $0x4  }
0x77: {  	v60 =	vshrl.u32 v3, $0x3  }
0x78: {  	v4 =	vmul.u32 $0x30, v60  }
0x79: {  	v3 =	vand.u32 $0x7, v3  }
0x7a: {  	v3 =	vor.u32 v3, v4  }
0x7b: {  	v4 =	vperm.xlane v3, v0;
	_ =	sdelay $0x1  }
0x7c: {  	v4 =	vadd.s32 v1, v4;
	_ =	sdelay $0x3  }
0x7d: {  	v3 =	vperm.xlane v3, v2  }
0x7e: {  	[hbm4b:s4+s3] =	stream.indirect_vreg.scatter [tilespmem:s17], [sflag:$0x3], $0x80, v4, vm0, $0xb8;
	[tilespmem:$0xC200] =	vst v63  }
0x7f: {  	v3 =	vadd.s32 v1, v3  }
0x80: {  	[hbm4b:s7+s3] =	stream.indirect_vreg.scatter [tilespmem:s18], [sflag:$0x3], $0x80, v4, vm0, $0xb8;
	[tilespmem:$0xC200] =	vst v63  }
0x81: {  	_ = 	snop  }
0x82: {  	[hbm4b:s8+s3] =	stream.indirect_vreg.scatter [tilespmem:s19], [sflag:$0x3], $0x80, v4, vm0, $0xb8;
	[tilespmem:$0xC200] =	vst v63  }
0x83: {  	_ = 	snop  }
0x84: {  	[hbm4b:s4+s3] =	stream.indirect_vreg.scatter [tilespmem:s20], [sflag:$0x3], $0x80, v3, vm0, $0xb8;
	[tilespmem:$0xC200] =	vst v63  }
0x85: {  	_ = 	snop  }
0x86: {  	[hbm4b:s7+s3] =	stream.indirect_vreg.scatter [tilespmem:s21], [sflag:$0x3], $0x80, v3, vm0, $0xb8;
	[tilespmem:$0xC200] =	vst v63  }
0x87: {  	_ = 	snop  }
0x88: {  	[hbm4b:s8+s3] =	stream.indirect_vreg.scatter [tilespmem:s22], [sflag:$0x3], $0x80, v3, vm0, $0xb8;
	[tilespmem:$0xC200] =	vst v63  }
0x89: {  	v3 =	vld [tilespmem:$0x110];
	_ =	sdelay $0x4  }
0x8a: {  	v61 =	vshrl.u32 v3, $0x3  }
0x8b: {  	v4 =	vmul.u32 $0x30, v61  }
0x8c: {  	v3 =	vand.u32 $0x7, v3  }
0x8d: {  	v3 =	vor.u32 v3, v4  }
0x8e: {  	v4 =	vperm.xlane v3, v0;
	_ =	sdelay $0x1  }
0x8f: {  	v4 =	vadd.s32 v1, v4;
	_ =	sdelay $0x3  }
0x90: {  	v3 =	vperm.xlane v3, v2  }
0x91: {  	[hbm4b:s4+s3] =	stream.indirect_vreg.scatter [tilespmem:s23], [sflag:$0x3], $0x80, v4, vm0, $0xb8;
	[tilespmem:$0xC200] =	vst v63  }
0x92: {  	v3 =	vadd.s32 v1, v3  }
0x93: {  	[hbm4b:s7+s3] =	stream.indirect_vreg.scatter [tilespmem:s24], [sflag:$0x3], $0x80, v4, vm0, $0xb8;
	[tilespmem:$0xC200] =	vst v63  }
0x94: {  	_ = 	snop  }
0x95: {  	[hbm4b:s8+s3] =	stream.indirect_vreg.scatter [tilespmem:s25], [sflag:$0x3], $0x80, v4, vm0, $0xb8;
	[tilespmem:$0xC200] =	vst v63  }
0x96: {  	_ = 	snop  }
0x97: {  	[hbm4b:s4+s3] =	stream.indirect_vreg.scatter [tilespmem:s26], [sflag:$0x3], $0x80, v3, vm0, $0xb8;
	[tilespmem:$0xC200] =	vst v63  }
0x98: {  	_ = 	snop  }
0x99: {  	[hbm4b:s7+s3] =	stream.indirect_vreg.scatter [tilespmem:s28], [sflag:$0x3], $0x80, v3, vm0, $0xb8;
	[tilespmem:$0xC200] =	vst v63  }
0x9a: {  	s17 =	simm.s32 $0x2  }
0x9b: {  	[hbm4b:s8+s3] =	stream.indirect_vreg.scatter [tilespmem:s29], [sflag:$0x3], $0x80, v3, vm0, $0xb8;
	[tilespmem:$0xC200] =	vst v63  }
0x9c: {  	_ =	swait.ge [sflag:s17], $0x6000  }
0x9d: {  	[sflag:s17] =	ssyncset.done $0x0  }
0x9e: {  	[sflag:s17] =	ssyncadd.s32 $0xFFFFA000  }
0x9f: {  	v3 =	vld [tilespmem:$0x180];
	_ =	sdelay $0x4  }
0xa0: {  	v62 =	vshrl.u32 v3, $0x3  }
0xa1: {  	v4 =	vmul.u32 $0x30, v62  }
0xa2: {  	v3 =	vand.u32 $0x7, v3  }
0xa3: {  	v3 =	vor.u32 v3, v4  }
0xa4: {  	v4 =	vperm.xlane v3, v0;
	_ =	sdelay $0x1  }
0xa5: {  	v4 =	vadd.s32 v1, v4;
	_ =	sdelay $0x3  }
0xa6: {  	v3 =	vperm.xlane v3, v2  }
0xa7: {  	[hbm4b:s4+s3] =	stream.indirect_vreg.scatter [tilespmem:s30], [sflag:$0x4], $0x80, v4, vm0, $0xb8;
	[tilespmem:$0xC200] =	vst v63  }
0xa8: {  	v3 =	vadd.s32 v1, v3  }
0xa9: {  	[hbm4b:s7+s3] =	stream.indirect_vreg.scatter [tilespmem:s31], [sflag:$0x4], $0x80, v4, vm0, $0xb8;
	[tilespmem:$0xC200] =	vst v63  }
0xaa: {  	s18 =	simm.s32 $0x7200  }
0xab: {  	[hbm4b:s8+s3] =	stream.indirect_vreg.scatter [tilespmem:s18], [sflag:$0x4], $0x80, v4, vm0, $0xb8;
	[tilespmem:$0xC200] =	vst v63  }
0xac: {  	_ = 	snop  }
0xad: {  	[hbm4b:s4+s3] =	stream.indirect_vreg.scatter [tilespmem:s2], [sflag:$0x4], $0x80, v3, vm0, $0xb8;
	[tilespmem:$0xC200] =	vst v63  }
0xae: {  	_ = 	snop  }
0xaf: {  	[hbm4b:s7+s3] =	stream.indirect_vreg.scatter [tilespmem:s11], [sflag:$0x4], $0x80, v3, vm0, $0xb8;
	[tilespmem:$0xC200] =	vst v63  }
0xb0: {  	_ = 	snop  }
0xb1: {  	[hbm4b:s8+s3] =	stream.indirect_vreg.scatter [tilespmem:s12], [sflag:$0x4], $0x80, v3, vm0, $0xb8;
	[tilespmem:$0xC200] =	vst v63  }
0xb2: {  	v3 =	vld [tilespmem:$0x190];
	_ =	sdelay $0x4  }
0xb3: {  	v63 =	vshrl.u32 v3, $0x3  }
0xb4: {  	v4 =	vmul.u32 $0x30, v63  }
0xb5: {  	v3 =	vand.u32 $0x7, v3  }
0xb6: {  	v3 =	vor.u32 v3, v4  }
0xb7: {  	v4 =	vperm.xlane v3, v0;
	_ =	sdelay $0x1  }
0xb8: {  	v4 =	vadd.s32 v1, v4;
	_ =	sdelay $0x3  }
0xb9: {  	v3 =	vperm.xlane v3, v2  }
0xba: {  	[hbm4b:s4+s3] =	stream.indirect_vreg.scatter [tilespmem:s13], [sflag:$0x4], $0x80, v4, vm0, $0xb8;
	[tilespmem:$0xC200] =	vst v63  }
0xbb: {  	v3 =	vadd.s32 v1, v3  }
0xbc: {  	[hbm4b:s7+s3] =	stream.indirect_vreg.scatter [tilespmem:s14], [sflag:$0x4], $0x80, v4, vm0, $0xb8;
	[tilespmem:$0xC200] =	vst v63  }
0xbd: {  	_ = 	snop  }
0xbe: {  	[hbm4b:s8+s3] =	stream.indirect_vreg.scatter [tilespmem:s15], [sflag:$0x4], $0x80, v4, vm0, $0xb8;
	[tilespmem:$0xC200] =	vst v63  }
0xbf: {  	_ = 	snop  }
0xc0: {  	[hbm4b:s4+s3] =	stream.indirect_vreg.scatter [tilespmem:s16], [sflag:$0x4], $0x80, v3, vm0, $0xb8;
	[tilespmem:$0xC200] =	vst v63  }
0xc1: {  	_ = 	snop  }
0xc2: {  	[hbm4b:s7+s3] =	stream.indirect_vreg.scatter [tilespmem:s1], [sflag:$0x4], $0x80, v3, vm0, $0xb8;
	[tilespmem:$0xC200] =	vst v63  }
0xc3: {  	s17 =	simm.s32 $0x3;
	s1 =	simm.s32 $0xBA00  }
0xc4: {  	[hbm4b:s8+s3] =	stream.indirect_vreg.scatter [tilespmem:s1], [sflag:$0x4], $0x80, v3, vm0, $0xb8;
	[tilespmem:$0xC200] =	vst v63  }
0xc5: {  	p0 =	sne.s32 s9, $0x1;
	_ =	swait.ge [sflag:s17], $0x6000  }
.Ltmp0:
0xc6: {  	[sflag:s17] =	ssyncset.done $0x0;
	(pc) =	sbr.rel @p0 .LBB2_1-.Ltmp0, $4  }
0xc7: {  	s18 =	simm.s32 $0x4;
	[sflag:s17] =	ssyncadd.s32 $0xFFFFA000  }
0xc8: {  	_ =	swait.ge [sflag:s18], $0x6000  }
0xc9: {  	[sflag:s18] =	ssyncset.done $0x0  }
0xca: {  	s9 =	sadd.s32 $0xFFFFFFFF, s9;
	[sflag:s18] =	ssyncadd.s32 $0xFFFFA000  }
0xcb: {  	_ =	sfence.sel $0x180000  }
0xcc: {  	[bflag:$0x0] =	sbarrier.arrive $0xFFFF  }
0xcd: {  	_ =	strace $0x90000047  }
0xce: {  	s0 =	stileid.u32;
	[bflag:$0x2] =	sbarrier.arrive $0xFFFF  }
0xcf: {  	p0 =	sne.s32 s0, $0x0;
	s0 =	rddreg [dreg:$0x2]  }
0xd0: {  	s0 =	sadd.s32 @!p0 $0x100000, s0  }
0xd1: {  	[sflag:s0] =	ssyncadd.tile.s32 @!p0 $0x1;
	_ =	shalt  }
.Lfunc_end2:
_tile_overlayer_lowered:
.L_overlay_start_2:
0xd2: {  	(tag) =	ssettag $0x2  }
0xd3: {  	s0 =	rddreg [dreg:$0x0];
	s2 =	stileid.u32  }
0xd4: {  	s1 =	rddreg [dreg:$0x1];
	p0 =	sne.s32 s2, $0x0  }
0xd5: {  	s3 =	rddreg [dreg:$0x2];
	[bflag:$0x3] =	sbarrier.arrive $0xFFFF;
	s2 =	simm.s32 @!p0 $0x1C05  }
0xd6: {  	[timem:s3], [sflag:s2] =	dma.local @!p0 [hbm:s0], s1  }
0xd7: {  	s0 =	simm.s32 @!p0 $0x5  }
0xd8: {  	_ =	swait.ge @!p0 [sflag:s0], s1  }
0xd9: {  	s1 =	ssub.s32 @!p0 $0x0, s1;
	[sflag:s0] =	ssyncset.done @!p0 $0x0  }
0xda: {  	[sflag:s0] =	ssyncadd.s32 @!p0 s1  }
0xdb: {  	[bflag:$0x3] =	sbarrier.arrive $0xFFFF  }
0xdc: {  	_ =	shalt  }

</sc_bundles>
